<compile_context>
chip_gen: v7x
topology: tpu7x:2x2x1
jax: 0.10.2.dev20260603
libtpu: 0.0.44.dev20260713+nightly
codegen_flags: <defaults>
</compile_context>

<pallas_src>
import jax
import jax.numpy as jnp
from jax import lax
from jax.experimental import pallas as pl
from jax.experimental.pallas import tpu as pltpu
from jax.experimental.pallas import tpu_sc as plsc

D = 128
N_NODES = 10000
NC, NS = 2, 16
NW = NC * NS
ROWS_PER_TILE = 632
N_PAD = NS * ROWS_PER_TILE
CHUNK = 125
N_EDGES = 320000
CPT = 80
HALF = 40

ROW_BLK = 2000


def _mm_body(h_ref, w_ref, o_ref):
    o_ref[...] = lax.dot_general(
        h_ref[...], w_ref[...], (((1,), (1,)), ((), ())),
        preferred_element_type=jnp.float32)


def _fin_body(h_ref, a0_ref, a1_ref, g_ref, b_ref, o_ref):
    agg = a0_ref[0] + a1_ref[0]
    ge = 0.5 * agg * (1.0 + lax.erf(agg * 0.7071067811865476))
    x = h_ref[...] + ge
    mu = jnp.mean(x, axis=1, keepdims=True)
    xc = x - mu
    var = jnp.mean(xc * xc, axis=1, keepdims=True)
    y = xc * lax.rsqrt(var + 1e-5)
    o_ref[...] = y * g_ref[...] + b_ref[...]


def _sc_body(m_hbm, src_hbm, dst_hbm, zero_hbm, out_hbm,
             src_v, dst_v, rows0_v, rows1_v, sem, shared):
    cid = lax.axis_index("c")
    sid = lax.axis_index("s")
    wid = sid * NC + cid
    row0 = sid * ROWS_PER_TILE

    pltpu.sync_copy(zero_hbm.at[pl.ds(row0, ROWS_PER_TILE)],
                    shared.at[pl.ds(row0, ROWS_PER_TILE)])
    plsc.subcore_barrier()

    rows = (rows0_v, rows1_v)

    def gath(e, b):
        pltpu.async_copy(m_hbm.at[src_v.at[e]], rows[b], sem)

    def wait_g(e, b):
        pltpu.make_async_copy(m_hbm.at[src_v.at[e]], rows[b], sem).wait()

    def scat_sync(e, b):
        pltpu.sync_copy(rows[b], shared.at[dst_v.at[e]], add=True)

    for h in range(CPT // HALF):
        pltpu.sync_copy(src_hbm.at[wid, pl.ds(h * HALF, HALF)], src_v)
        pltpu.sync_copy(dst_hbm.at[wid, pl.ds(h * HALF, HALF)], dst_v)

        gath(0, 0)
        gath(1, 1)

        def pair(i, carry):
            for b in range(2):
                e = 2 * i + b
                wait_g(e, b)
                scat_sync(e, b)
                gath(e + 2, b)
            return carry

        lax.fori_loop(0, (HALF - 2) // 2, pair, 0, unroll=False)

        wait_g(HALF - 2, 0)
        scat_sync(HALF - 2, 0)
        wait_g(HALF - 1, 1)
        scat_sync(HALF - 1, 1)
    plsc.subcore_barrier()
    pltpu.sync_copy(shared.at[pl.ds(row0, ROWS_PER_TILE)],
                    out_hbm.at[cid, pl.ds(row0, ROWS_PER_TILE)])


_sc_scatter = pl.kernel(
    _sc_body,
    out_type=jax.ShapeDtypeStruct((NC, N_PAD, D), jnp.float32),
    mesh=plsc.VectorSubcoreMesh(core_axis_name="c", subcore_axis_name="s"),
    scratch_types=[
        pltpu.VMEM((HALF, CHUNK), jnp.int32),
        pltpu.VMEM((HALF, CHUNK), jnp.int32),
        pltpu.VMEM((CHUNK, D), jnp.float32),
        pltpu.VMEM((CHUNK, D), jnp.float32),
        pltpu.SemaphoreType.DMA,
        pltpu.VMEM_SHARED((N_PAD, D), jnp.float32),
    ],
)


def kernel(H, src, dst, W, gamma, beta):
    H2 = H.reshape(N_NODES, D)

    m = pl.pallas_call(
        _mm_body,
        out_shape=jax.ShapeDtypeStruct((N_NODES, D), jnp.float32),
        grid=(N_NODES // ROW_BLK,),
        in_specs=[pl.BlockSpec((ROW_BLK, D), lambda i: (i, 0)),
                  pl.BlockSpec((D, D), lambda i: (0, 0))],
        out_specs=pl.BlockSpec((ROW_BLK, D), lambda i: (i, 0)),
    )(H2, W)

    src3 = src.astype(jnp.int32).reshape(NW, CPT, CHUNK)
    dst3 = dst.astype(jnp.int32).reshape(NW, CPT, CHUNK)
    zeros = jnp.zeros((N_PAD, D), jnp.float32)

    parts = _sc_scatter(m, src3, dst3, zeros)

    out = pl.pallas_call(
        _fin_body,
        out_shape=jax.ShapeDtypeStruct((N_NODES, D), jnp.float32),
        grid=(N_NODES // ROW_BLK,),
        in_specs=[pl.BlockSpec((ROW_BLK, D), lambda i: (i, 0)),
                  pl.BlockSpec((1, ROW_BLK, D), lambda i: (0, i, 0)),
                  pl.BlockSpec((1, ROW_BLK, D), lambda i: (1, i, 0)),
                  pl.BlockSpec((1, D), lambda i: (0, 0)),
                  pl.BlockSpec((1, D), lambda i: (0, 0))],
        out_specs=pl.BlockSpec((ROW_BLK, D), lambda i: (i, 0)),
    )(H2, parts, parts, gamma.reshape(1, D), beta.reshape(1, D))

    return out.reshape(1, N_NODES, D)

# --- scband reference (transcript-rebuilt; emitter-appended) ---
"""Pipeline reference for scband-graph-layer-67903432949860 (READ-ONLY COPY).

The authoritative reference and input builder live on the scoring server;
editing this copy changes nothing except your own understanding.
"""

import jax, jax.numpy as jnp
import numpy as np

D_MODEL = 128
N_NODES = 10000
N_EDGES = 320000
BATCH = 1


def setup_inputs(seed: int = 0) -> dict:
    key = jax.random.key(seed)
    k_h, k_src, k_dst, k_w, k_g, k_b = jax.random.split(key, 6)
    H = jax.random.normal(k_h, (BATCH, N_NODES, D_MODEL), dtype=jnp.float32)
    src = jax.random.randint(k_src, (N_EDGES,), 0, N_NODES, dtype=jnp.int64 if jax.config.jax_enable_x64 else jnp.int32)
    dst = jax.random.randint(k_dst, (N_EDGES,), 0, N_NODES, dtype=jnp.int64 if jax.config.jax_enable_x64 else jnp.int32)
    # nn.Linear(d_model, d_model, bias=False): weight W of shape [out, in]
    W = jax.random.normal(k_w, (D_MODEL, D_MODEL), dtype=jnp.float32) * (1.0 / np.sqrt(D_MODEL))
    # LayerNorm params
    gamma = jnp.ones((D_MODEL,), dtype=jnp.float32)
    beta = jnp.zeros((D_MODEL,), dtype=jnp.float32)
    return {"H": H, "src": src, "dst": dst, "W": W, "gamma": gamma, "beta": beta}


def reference(H, src, dst, W, gamma, beta):
    # m = self.lin(H)  ->  H @ W.T
    m = jnp.einsum('bnd,ed->bne', H, W)
    # agg.index_add_(1, dst, m[:, src, :])
    gathered = m[:, src, :]
    agg = jnp.zeros_like(m).at[:, dst, :].add(gathered)
    # H + gelu(agg)  (torch F.gelu default is exact erf form)
    x = H + jax.nn.gelu(agg, approximate=False)
    # LayerNorm over last dim, eps=1e-5
    mu = jnp.mean(x, axis=-1, keepdims=True)
    var = jnp.mean(jnp.square(x - mu), axis=-1, keepdims=True)
    out = (x - mu) / jnp.sqrt(var + 1e-5) * gamma + beta
    return out

if __name__ == "__main__":
    import jax
    _d = setup_inputs()
    print(jax.jit(kernel)(*tuple(_d.values())))

</pallas_src>

<mosaic_0001>
#map = affine_map<(d0, d1) -> (0, 0)>
#map1 = affine_map<(d0, d1) -> (0, 0, 0)>
module attributes {stable_mosaic.version = 14 : i64} {
  func.func @_sc_body(%arg0: i32, %arg1: i32, %arg2: memref<10000x128xf32, #tpu.memory_space<hbm>>, %arg3: memref<32x80x125xi32, #tpu.memory_space<hbm>>, %arg4: memref<32x80x125xi32, #tpu.memory_space<hbm>>, %arg5: memref<10112x128xf32, #tpu.memory_space<hbm>>, %arg6: memref<2x10112x128xf32, #tpu.memory_space<hbm>>, %arg7: memref<40x125xi32, #tpu.memory_space<vmem>>, %arg8: memref<40x125xi32, #tpu.memory_space<vmem>>, %arg9: memref<125x128xf32, #tpu.memory_space<vmem>>, %arg10: memref<125x128xf32, #tpu.memory_space<vmem>>, %arg11: memref<!tpu.dma_semaphore, #tpu.memory_space<semaphore_mem>>, %arg12: memref<10112x128xf32, #tpu.memory_space<vmem_shared>>) attributes {dimension_semantics = [#tpu.dimension_semantics<core_parallel>, #tpu.dimension_semantics<subcore_parallel>], iteration_bounds = array<i64: 2, 16>, scalar_prefetch = 0 : i64, scratch_operands = 6 : i64, tpu.core_type = #tpu.core_type<sc_vector_subcore>, window_params = [{transform_indices = #map}, {transform_indices = #map1}, {transform_indices = #map1}, {transform_indices = #map}, {transform_indices = #map1}]} {
    %mul3A = arith.constant 2 : i32
    %mul3A_0 = arith.muli %arg1, %mul3A : i32
    %add3A = arith.addi %mul3A_0, %arg0 : i32
    %mul3A_1 = arith.constant 632 : i32
    %mul3A_2 = arith.muli %arg1, %mul3A_1 : i32
    "tpu.region"() ({
      %run_scoped3A_72 = tpu.sem_alloc : memref<!tpu.dma_semaphore, #tpu.memory_space<semaphore_mem>>
      %dma_start3A_73 = arith.constant 0 : i32
      %dma_start3A_74 = tpu.memref_slice %arg12[%mul3A_2, %dma_start3A_73] : memref<10112x128xf32, #tpu.memory_space<vmem_shared>> -> memref<632x128xf32, #tpu.memory_space<vmem_shared>>
      %dma_start3A_75 = arith.constant 0 : i32
      %dma_start3A_76 = tpu.memref_slice %arg5[%mul3A_2, %dma_start3A_75] : memref<10112x128xf32, #tpu.memory_space<hbm>> -> memref<632x128xf32, #tpu.memory_space<hbm>>
      tpu.enqueue_dma source(%dma_start3A_76 : memref<632x128xf32, #tpu.memory_space<hbm>>) target(%dma_start3A_74 : memref<632x128xf32, #tpu.memory_space<vmem_shared>>) target_semaphore(%run_scoped3A_72 : memref<!tpu.dma_semaphore, #tpu.memory_space<semaphore_mem>>)
      %dma_wait3A_77 = arith.constant 0 : i32
      %dma_wait3A_78 = tpu.memref_slice %arg12[%mul3A_2, %dma_wait3A_77] : memref<10112x128xf32, #tpu.memory_space<vmem_shared>> -> memref<632x128xf32, #tpu.memory_space<vmem_shared>>
      %dma_wait3A_79 = arith.constant 0 : i32
      %dma_wait3A_80 = tpu.memref_slice %arg5[%mul3A_2, %dma_wait3A_79] : memref<10112x128xf32, #tpu.memory_space<hbm>> -> memref<632x128xf32, #tpu.memory_space<hbm>>
      tpu.wait_dma2 semaphore(%run_scoped3A_72 : memref<!tpu.dma_semaphore, #tpu.memory_space<semaphore_mem>>) src(%dma_wait3A_80 : memref<632x128xf32, #tpu.memory_space<hbm>>) dst(%dma_wait3A_78 : memref<632x128xf32, #tpu.memory_space<vmem_shared>>)
      tpu.yield
    }) : () -> ()
    %barrier3A = arith.constant 0 : index
    tpu.barrier barrier_id(%barrier3A)
    "tpu.region"() ({
      %run_scoped3A_72 = tpu.sem_alloc : memref<!tpu.dma_semaphore, #tpu.memory_space<semaphore_mem>>
      %dma_start3A_73 = arith.constant 0 : i32
      %dma_start3A_74 = arith.constant 0 : i32
      %dma_start3A_75 = tpu.memref_slice %arg3[%add3A, %dma_start3A_73, %dma_start3A_74] : memref<32x80x125xi32, #tpu.memory_space<hbm>> -> memref<1x40x125xi32, #tpu.memory_space<hbm>>
      %dma_start3A_76 = tpu.memref_squeeze %dma_start3A_75 : memref<1x40x125xi32, #tpu.memory_space<hbm>> -> memref<40x125xi32, #tpu.memory_space<hbm>>
      %dma_start3A_77 = arith.constant 0 : i32
      %dma_start3A_78 = arith.constant 0 : i32
      %dma_start3A_79 = tpu.memref_slice %arg3[%add3A, %dma_start3A_77, %dma_start3A_78] : memref<32x80x125xi32, #tpu.memory_space<hbm>> -> memref<1x40x125xi32, #tpu.memory_space<hbm>>
      %dma_start3A_80 = tpu.memref_squeeze %dma_start3A_79 : memref<1x40x125xi32, #tpu.memory_space<hbm>> -> memref<40x125xi32, #tpu.memory_space<hbm>>
      tpu.enqueue_dma source(%dma_start3A_80 : memref<40x125xi32, #tpu.memory_space<hbm>>) target(%arg7 : memref<40x125xi32, #tpu.memory_space<vmem>>) target_semaphore(%run_scoped3A_72 : memref<!tpu.dma_semaphore, #tpu.memory_space<semaphore_mem>>)
      %dma_wait3A_81 = arith.constant 0 : i32
      %dma_wait3A_82 = arith.constant 0 : i32
      %dma_wait3A_83 = tpu.memref_slice %arg3[%add3A, %dma_wait3A_81, %dma_wait3A_82] : memref<32x80x125xi32, #tpu.memory_space<hbm>> -> memref<1x40x125xi32, #tpu.memory_space<hbm>>
      %dma_wait3A_84 = tpu.memref_squeeze %dma_wait3A_83 : memref<1x40x125xi32, #tpu.memory_space<hbm>> -> memref<40x125xi32, #tpu.memory_space<hbm>>
      %dma_wait3A_85 = arith.constant 0 : i32
      %dma_wait3A_86 = arith.constant 0 : i32
      %dma_wait3A_87 = tpu.memref_slice %arg3[%add3A, %dma_wait3A_85, %dma_wait3A_86] : memref<32x80x125xi32, #tpu.memory_space<hbm>> -> memref<1x40x125xi32, #tpu.memory_space<hbm>>
      %dma_wait3A_88 = tpu.memref_squeeze %dma_wait3A_87 : memref<1x40x125xi32, #tpu.memory_space<hbm>> -> memref<40x125xi32, #tpu.memory_space<hbm>>
      tpu.wait_dma2 semaphore(%run_scoped3A_72 : memref<!tpu.dma_semaphore, #tpu.memory_space<semaphore_mem>>) src(%dma_wait3A_88 : memref<40x125xi32, #tpu.memory_space<hbm>>) dst(%arg7 : memref<40x125xi32, #tpu.memory_space<vmem>>)
      tpu.yield
    }) : () -> ()
    "tpu.region"() ({
      %run_scoped3A_72 = tpu.sem_alloc : memref<!tpu.dma_semaphore, #tpu.memory_space<semaphore_mem>>
      %dma_start3A_73 = arith.constant 0 : i32
      %dma_start3A_74 = arith.constant 0 : i32
      %dma_start3A_75 = tpu.memref_slice %arg4[%add3A, %dma_start3A_73, %dma_start3A_74] : memref<32x80x125xi32, #tpu.memory_space<hbm>> -> memref<1x40x125xi32, #tpu.memory_space<hbm>>
      %dma_start3A_76 = tpu.memref_squeeze %dma_start3A_75 : memref<1x40x125xi32, #tpu.memory_space<hbm>> -> memref<40x125xi32, #tpu.memory_space<hbm>>
      %dma_start3A_77 = arith.constant 0 : i32
      %dma_start3A_78 = arith.constant 0 : i32
      %dma_start3A_79 = tpu.memref_slice %arg4[%add3A, %dma_start3A_77, %dma_start3A_78] : memref<32x80x125xi32, #tpu.memory_space<hbm>> -> memref<1x40x125xi32, #tpu.memory_space<hbm>>
      %dma_start3A_80 = tpu.memref_squeeze %dma_start3A_79 : memref<1x40x125xi32, #tpu.memory_space<hbm>> -> memref<40x125xi32, #tpu.memory_space<hbm>>
      tpu.enqueue_dma source(%dma_start3A_80 : memref<40x125xi32, #tpu.memory_space<hbm>>) target(%arg8 : memref<40x125xi32, #tpu.memory_space<vmem>>) target_semaphore(%run_scoped3A_72 : memref<!tpu.dma_semaphore, #tpu.memory_space<semaphore_mem>>)
      %dma_wait3A_81 = arith.constant 0 : i32
      %dma_wait3A_82 = arith.constant 0 : i32
      %dma_wait3A_83 = tpu.memref_slice %arg4[%add3A, %dma_wait3A_81, %dma_wait3A_82] : memref<32x80x125xi32, #tpu.memory_space<hbm>> -> memref<1x40x125xi32, #tpu.memory_space<hbm>>
      %dma_wait3A_84 = tpu.memref_squeeze %dma_wait3A_83 : memref<1x40x125xi32, #tpu.memory_space<hbm>> -> memref<40x125xi32, #tpu.memory_space<hbm>>
      %dma_wait3A_85 = arith.constant 0 : i32
      %dma_wait3A_86 = arith.constant 0 : i32
      %dma_wait3A_87 = tpu.memref_slice %arg4[%add3A, %dma_wait3A_85, %dma_wait3A_86] : memref<32x80x125xi32, #tpu.memory_space<hbm>> -> memref<1x40x125xi32, #tpu.memory_space<hbm>>
      %dma_wait3A_88 = tpu.memref_squeeze %dma_wait3A_87 : memref<1x40x125xi32, #tpu.memory_space<hbm>> -> memref<40x125xi32, #tpu.memory_space<hbm>>
      tpu.wait_dma2 semaphore(%run_scoped3A_72 : memref<!tpu.dma_semaphore, #tpu.memory_space<semaphore_mem>>) src(%dma_wait3A_88 : memref<40x125xi32, #tpu.memory_space<hbm>>) dst(%arg8 : memref<40x125xi32, #tpu.memory_space<vmem>>)
      tpu.yield
    }) : () -> ()
    %dma_start3A = arith.constant 0 : i32
    %dma_start3A_3 = arith.constant 0 : i32
    %dma_start3A_4 = tpu.memref_slice %arg7[%dma_start3A, %dma_start3A_3] : memref<40x125xi32, #tpu.memory_space<vmem>> -> memref<1x125xi32, #tpu.memory_space<vmem>>
    %dma_start3A_5 = tpu.memref_squeeze %dma_start3A_4 : memref<1x125xi32, #tpu.memory_space<vmem>> -> memref<125xi32, #tpu.memory_space<vmem>>
    %dma_start3A_6 = arith.constant 0 : i32
    %dma_start3A_7 = arith.constant 0 : i32
    %dma_start3A_8 = tpu.memref_slice %arg2[%dma_start3A_6, %dma_start3A_7] : memref<10000x128xf32, #tpu.memory_space<hbm>> -> memref<10000x128xf32, #tpu.memory_space<hbm>>
    tpu.enqueue_indirect_dma source(%dma_start3A_8 : memref<10000x128xf32, #tpu.memory_space<hbm>>) target(%arg9 : memref<125x128xf32, #tpu.memory_space<vmem>>) offsets(%dma_start3A_5 : memref<125xi32, #tpu.memory_space<vmem>>) semaphore(%arg11 : memref<!tpu.dma_semaphore, #tpu.memory_space<semaphore_mem>>)
    %dma_start3A_9 = arith.constant 1 : i32
    %dma_start3A_10 = arith.constant 0 : i32
    %dma_start3A_11 = tpu.memref_slice %arg7[%dma_start3A_9, %dma_start3A_10] : memref<40x125xi32, #tpu.memory_space<vmem>> -> memref<1x125xi32, #tpu.memory_space<vmem>>
    %dma_start3A_12 = tpu.memref_squeeze %dma_start3A_11 : memref<1x125xi32, #tpu.memory_space<vmem>> -> memref<125xi32, #tpu.memory_space<vmem>>
    %dma_start3A_13 = arith.constant 0 : i32
    %dma_start3A_14 = arith.constant 0 : i32
    %dma_start3A_15 = tpu.memref_slice %arg2[%dma_start3A_13, %dma_start3A_14] : memref<10000x128xf32, #tpu.memory_space<hbm>> -> memref<10000x128xf32, #tpu.memory_space<hbm>>
    tpu.enqueue_indirect_dma source(%dma_start3A_15 : memref<10000x128xf32, #tpu.memory_space<hbm>>) target(%arg10 : memref<125x128xf32, #tpu.memory_space<vmem>>) offsets(%dma_start3A_12 : memref<125xi32, #tpu.memory_space<vmem>>) semaphore(%arg11 : memref<!tpu.dma_semaphore, #tpu.memory_space<semaphore_mem>>)
    %scan3A = arith.constant 0 : i32
    %scan3A_16 = arith.constant 0 : i32
    %scan3A_17 = arith.constant 19 : i32
    %scan3A_18 = arith.addi %scan3A_16, %scan3A_17 : i32
    %scan3A_19 = arith.constant 1 : i32
    scf.for %scan3A_72 = %scan3A_16 to %scan3A_18 step %scan3A_19  : i32 {
      %mul3A_73 = arith.constant 2 : i32
      %mul3A_74 = arith.muli %mul3A_73, %scan3A_72 : i32
      %add3A_75 = arith.constant 0 : i32
      %add3A_76 = arith.addi %mul3A_74, %add3A_75 : i32
      %dma_wait3A_77 = arith.constant 0 : i32
      %dma_wait3A_78 = tpu.memref_slice %arg7[%add3A_76, %dma_wait3A_77] : memref<40x125xi32, #tpu.memory_space<vmem>> -> memref<1x125xi32, #tpu.memory_space<vmem>>
      %dma_wait3A_79 = tpu.memref_squeeze %dma_wait3A_78 : memref<1x125xi32, #tpu.memory_space<vmem>> -> memref<125xi32, #tpu.memory_space<vmem>>
      %dma_wait3A_80 = arith.constant 0 : i32
      %dma_wait3A_81 = arith.constant 0 : i32
      %dma_wait3A_82 = tpu.memref_slice %arg2[%dma_wait3A_80, %dma_wait3A_81] : memref<10000x128xf32, #tpu.memory_space<hbm>> -> memref<10000x128xf32, #tpu.memory_space<hbm>>
      tpu.wait_indirect_dma semaphore(%arg11 : memref<!tpu.dma_semaphore, #tpu.memory_space<semaphore_mem>>) src(%dma_wait3A_82 : memref<10000x128xf32, #tpu.memory_space<hbm>>) dst(%arg9 : memref<125x128xf32, #tpu.memory_space<vmem>>)
      "tpu.region"() ({
        %run_scoped3A_109 = tpu.sem_alloc : memref<!tpu.dma_semaphore, #tpu.memory_space<semaphore_mem>>
        %dma_start3A_110 = arith.constant 0 : i32
        %dma_start3A_111 = tpu.memref_slice %arg8[%add3A_76, %dma_start3A_110] : memref<40x125xi32, #tpu.memory_space<vmem>> -> memref<1x125xi32, #tpu.memory_space<vmem>>
        %dma_start3A_112 = tpu.memref_squeeze %dma_start3A_111 : memref<1x125xi32, #tpu.memory_space<vmem>> -> memref<125xi32, #tpu.memory_space<vmem>>
        %dma_start3A_113 = arith.constant 0 : i32
        %dma_start3A_114 = arith.constant 0 : i32
        %dma_start3A_115 = tpu.memref_slice %arg12[%dma_start3A_113, %dma_start3A_114] : memref<10112x128xf32, #tpu.memory_space<vmem_shared>> -> memref<10112x128xf32, #tpu.memory_space<vmem_shared>>
        tpu.enqueue_indirect_dma source(%arg9 : memref<125x128xf32, #tpu.memory_space<vmem>>) target(%dma_start3A_115 : memref<10112x128xf32, #tpu.memory_space<vmem_shared>>) offsets(%dma_start3A_112 : memref<125xi32, #tpu.memory_space<vmem>>) semaphore(%run_scoped3A_109 : memref<!tpu.dma_semaphore, #tpu.memory_space<semaphore_mem>>) {add = true}
        %dma_wait3A_116 = arith.constant 0 : i32
        %dma_wait3A_117 = tpu.memref_slice %arg8[%add3A_76, %dma_wait3A_116] : memref<40x125xi32, #tpu.memory_space<vmem>> -> memref<1x125xi32, #tpu.memory_space<vmem>>
        %dma_wait3A_118 = tpu.memref_squeeze %dma_wait3A_117 : memref<1x125xi32, #tpu.memory_space<vmem>> -> memref<125xi32, #tpu.memory_space<vmem>>
        %dma_wait3A_119 = arith.constant 0 : i32
        %dma_wait3A_120 = arith.constant 0 : i32
        %dma_wait3A_121 = tpu.memref_slice %arg12[%dma_wait3A_119, %dma_wait3A_120] : memref<10112x128xf32, #tpu.memory_space<vmem_shared>> -> memref<10112x128xf32, #tpu.memory_space<vmem_shared>>
        tpu.wait_indirect_dma semaphore(%run_scoped3A_109 : memref<!tpu.dma_semaphore, #tpu.memory_space<semaphore_mem>>) src(%arg9 : memref<125x128xf32, #tpu.memory_space<vmem>>) dst(%dma_wait3A_121 : memref<10112x128xf32, #tpu.memory_space<vmem_shared>>)
        tpu.yield
      }) : () -> ()
      %add3A_83 = arith.constant 2 : i32
      %add3A_84 = arith.addi %add3A_76, %add3A_83 : i32
      %dma_start3A_85 = arith.constant 0 : i32
      %dma_start3A_86 = tpu.memref_slice %arg7[%add3A_84, %dma_start3A_85] : memref<40x125xi32, #tpu.memory_space<vmem>> -> memref<1x125xi32, #tpu.memory_space<vmem>>
      %dma_start3A_87 = tpu.memref_squeeze %dma_start3A_86 : memref<1x125xi32, #tpu.memory_space<vmem>> -> memref<125xi32, #tpu.memory_space<vmem>>
      %dma_start3A_88 = arith.constant 0 : i32
      %dma_start3A_89 = arith.constant 0 : i32
      %dma_start3A_90 = tpu.memref_slice %arg2[%dma_start3A_88, %dma_start3A_89] : memref<10000x128xf32, #tpu.memory_space<hbm>> -> memref<10000x128xf32, #tpu.memory_space<hbm>>
      tpu.enqueue_indirect_dma source(%dma_start3A_90 : memref<10000x128xf32, #tpu.memory_space<hbm>>) target(%arg9 : memref<125x128xf32, #tpu.memory_space<vmem>>) offsets(%dma_start3A_87 : memref<125xi32, #tpu.memory_space<vmem>>) semaphore(%arg11 : memref<!tpu.dma_semaphore, #tpu.memory_space<semaphore_mem>>)
      %mul3A_91 = arith.constant 2 : i32
      %mul3A_92 = arith.muli %mul3A_91, %scan3A_72 : i32
      %add3A_93 = arith.constant 1 : i32
      %add3A_94 = arith.addi %mul3A_92, %add3A_93 : i32
      %dma_wait3A_95 = arith.constant 0 : i32
      %dma_wait3A_96 = tpu.memref_slice %arg7[%add3A_94, %dma_wait3A_95] : memref<40x125xi32, #tpu.memory_space<vmem>> -> memref<1x125xi32, #tpu.memory_space<vmem>>
      %dma_wait3A_97 = tpu.memref_squeeze %dma_wait3A_96 : memref<1x125xi32, #tpu.memory_space<vmem>> -> memref<125xi32, #tpu.memory_space<vmem>>
      %dma_wait3A_98 = arith.constant 0 : i32
      %dma_wait3A_99 = arith.constant 0 : i32
      %dma_wait3A_100 = tpu.memref_slice %arg2[%dma_wait3A_98, %dma_wait3A_99] : memref<10000x128xf32, #tpu.memory_space<hbm>> -> memref<10000x128xf32, #tpu.memory_space<hbm>>
      tpu.wait_indirect_dma semaphore(%arg11 : memref<!tpu.dma_semaphore, #tpu.memory_space<semaphore_mem>>) src(%dma_wait3A_100 : memref<10000x128xf32, #tpu.memory_space<hbm>>) dst(%arg10 : memref<125x128xf32, #tpu.memory_space<vmem>>)
      "tpu.region"() ({
        %run_scoped3A_109 = tpu.sem_alloc : memref<!tpu.dma_semaphore, #tpu.memory_space<semaphore_mem>>
        %dma_start3A_110 = arith.constant 0 : i32
        %dma_start3A_111 = tpu.memref_slice %arg8[%add3A_94, %dma_start3A_110] : memref<40x125xi32, #tpu.memory_space<vmem>> -> memref<1x125xi32, #tpu.memory_space<vmem>>
        %dma_start3A_112 = tpu.memref_squeeze %dma_start3A_111 : memref<1x125xi32, #tpu.memory_space<vmem>> -> memref<125xi32, #tpu.memory_space<vmem>>
        %dma_start3A_113 = arith.constant 0 : i32
        %dma_start3A_114 = arith.constant 0 : i32
        %dma_start3A_115 = tpu.memref_slice %arg12[%dma_start3A_113, %dma_start3A_114] : memref<10112x128xf32, #tpu.memory_space<vmem_shared>> -> memref<10112x128xf32, #tpu.memory_space<vmem_shared>>
        tpu.enqueue_indirect_dma source(%arg10 : memref<125x128xf32, #tpu.memory_space<vmem>>) target(%dma_start3A_115 : memref<10112x128xf32, #tpu.memory_space<vmem_shared>>) offsets(%dma_start3A_112 : memref<125xi32, #tpu.memory_space<vmem>>) semaphore(%run_scoped3A_109 : memref<!tpu.dma_semaphore, #tpu.memory_space<semaphore_mem>>) {add = true}
        %dma_wait3A_116 = arith.constant 0 : i32
        %dma_wait3A_117 = tpu.memref_slice %arg8[%add3A_94, %dma_wait3A_116] : memref<40x125xi32, #tpu.memory_space<vmem>> -> memref<1x125xi32, #tpu.memory_space<vmem>>
        %dma_wait3A_118 = tpu.memref_squeeze %dma_wait3A_117 : memref<1x125xi32, #tpu.memory_space<vmem>> -> memref<125xi32, #tpu.memory_space<vmem>>
        %dma_wait3A_119 = arith.constant 0 : i32
        %dma_wait3A_120 = arith.constant 0 : i32
        %dma_wait3A_121 = tpu.memref_slice %arg12[%dma_wait3A_119, %dma_wait3A_120] : memref<10112x128xf32, #tpu.memory_space<vmem_shared>> -> memref<10112x128xf32, #tpu.memory_space<vmem_shared>>
        tpu.wait_indirect_dma semaphore(%run_scoped3A_109 : memref<!tpu.dma_semaphore, #tpu.memory_space<semaphore_mem>>) src(%arg10 : memref<125x128xf32, #tpu.memory_space<vmem>>) dst(%dma_wait3A_121 : memref<10112x128xf32, #tpu.memory_space<vmem_shared>>)
        tpu.yield
      }) : () -> ()
      %add3A_101 = arith.constant 2 : i32
      %add3A_102 = arith.addi %add3A_94, %add3A_101 : i32
      %dma_start3A_103 = arith.constant 0 : i32
      %dma_start3A_104 = tpu.memref_slice %arg7[%add3A_102, %dma_start3A_103] : memref<40x125xi32, #tpu.memory_space<vmem>> -> memref<1x125xi32, #tpu.memory_space<vmem>>
      %dma_start3A_105 = tpu.memref_squeeze %dma_start3A_104 : memref<1x125xi32, #tpu.memory_space<vmem>> -> memref<125xi32, #tpu.memory_space<vmem>>
      %dma_start3A_106 = arith.constant 0 : i32
      %dma_start3A_107 = arith.constant 0 : i32
      %dma_start3A_108 = tpu.memref_slice %arg2[%dma_start3A_106, %dma_start3A_107] : memref<10000x128xf32, #tpu.memory_space<hbm>> -> memref<10000x128xf32, #tpu.memory_space<hbm>>
      tpu.enqueue_indirect_dma source(%dma_start3A_108 : memref<10000x128xf32, #tpu.memory_space<hbm>>) target(%arg10 : memref<125x128xf32, #tpu.memory_space<vmem>>) offsets(%dma_start3A_105 : memref<125xi32, #tpu.memory_space<vmem>>) semaphore(%arg11 : memref<!tpu.dma_semaphore, #tpu.memory_space<semaphore_mem>>)
    }
    %scan3A_20 = arith.constant 19 : i32
    %dma_wait3A = arith.constant 38 : i32
    %dma_wait3A_21 = arith.constant 0 : i32
    %dma_wait3A_22 = tpu.memref_slice %arg7[%dma_wait3A, %dma_wait3A_21] : memref<40x125xi32, #tpu.memory_space<vmem>> -> memref<1x125xi32, #tpu.memory_space<vmem>>
    %dma_wait3A_23 = tpu.memref_squeeze %dma_wait3A_22 : memref<1x125xi32, #tpu.memory_space<vmem>> -> memref<125xi32, #tpu.memory_space<vmem>>
    %dma_wait3A_24 = arith.constant 0 : i32
    %dma_wait3A_25 = arith.constant 0 : i32
    %dma_wait3A_26 = tpu.memref_slice %arg2[%dma_wait3A_24, %dma_wait3A_25] : memref<10000x128xf32, #tpu.memory_space<hbm>> -> memref<10000x128xf32, #tpu.memory_space<hbm>>
    tpu.wait_indirect_dma semaphore(%arg11 : memref<!tpu.dma_semaphore, #tpu.memory_space<semaphore_mem>>) src(%dma_wait3A_26 : memref<10000x128xf32, #tpu.memory_space<hbm>>) dst(%arg9 : memref<125x128xf32, #tpu.memory_space<vmem>>)
    %run_scoped3A = arith.constant 38 : i32
    "tpu.region"() ({
      %run_scoped3A_72 = tpu.sem_alloc : memref<!tpu.dma_semaphore, #tpu.memory_space<semaphore_mem>>
      %dma_start3A_73 = arith.constant 0 : i32
      %dma_start3A_74 = tpu.memref_slice %arg8[%run_scoped3A, %dma_start3A_73] : memref<40x125xi32, #tpu.memory_space<vmem>> -> memref<1x125xi32, #tpu.memory_space<vmem>>
      %dma_start3A_75 = tpu.memref_squeeze %dma_start3A_74 : memref<1x125xi32, #tpu.memory_space<vmem>> -> memref<125xi32, #tpu.memory_space<vmem>>
      %dma_start3A_76 = arith.constant 0 : i32
      %dma_start3A_77 = arith.constant 0 : i32
      %dma_start3A_78 = tpu.memref_slice %arg12[%dma_start3A_76, %dma_start3A_77] : memref<10112x128xf32, #tpu.memory_space<vmem_shared>> -> memref<10112x128xf32, #tpu.memory_space<vmem_shared>>
      tpu.enqueue_indirect_dma source(%arg9 : memref<125x128xf32, #tpu.memory_space<vmem>>) target(%dma_start3A_78 : memref<10112x128xf32, #tpu.memory_space<vmem_shared>>) offsets(%dma_start3A_75 : memref<125xi32, #tpu.memory_space<vmem>>) semaphore(%run_scoped3A_72 : memref<!tpu.dma_semaphore, #tpu.memory_space<semaphore_mem>>) {add = true}
      %dma_wait3A_79 = arith.constant 0 : i32
      %dma_wait3A_80 = tpu.memref_slice %arg8[%run_scoped3A, %dma_wait3A_79] : memref<40x125xi32, #tpu.memory_space<vmem>> -> memref<1x125xi32, #tpu.memory_space<vmem>>
      %dma_wait3A_81 = tpu.memref_squeeze %dma_wait3A_80 : memref<1x125xi32, #tpu.memory_space<vmem>> -> memref<125xi32, #tpu.memory_space<vmem>>
      %dma_wait3A_82 = arith.constant 0 : i32
      %dma_wait3A_83 = arith.constant 0 : i32
      %dma_wait3A_84 = tpu.memref_slice %arg12[%dma_wait3A_82, %dma_wait3A_83] : memref<10112x128xf32, #tpu.memory_space<vmem_shared>> -> memref<10112x128xf32, #tpu.memory_space<vmem_shared>>
      tpu.wait_indirect_dma semaphore(%run_scoped3A_72 : memref<!tpu.dma_semaphore, #tpu.memory_space<semaphore_mem>>) src(%arg9 : memref<125x128xf32, #tpu.memory_space<vmem>>) dst(%dma_wait3A_84 : memref<10112x128xf32, #tpu.memory_space<vmem_shared>>)
      tpu.yield
    }) : () -> ()
    %dma_wait3A_27 = arith.constant 39 : i32
    %dma_wait3A_28 = arith.constant 0 : i32
    %dma_wait3A_29 = tpu.memref_slice %arg7[%dma_wait3A_27, %dma_wait3A_28] : memref<40x125xi32, #tpu.memory_space<vmem>> -> memref<1x125xi32, #tpu.memory_space<vmem>>
    %dma_wait3A_30 = tpu.memref_squeeze %dma_wait3A_29 : memref<1x125xi32, #tpu.memory_space<vmem>> -> memref<125xi32, #tpu.memory_space<vmem>>
    %dma_wait3A_31 = arith.constant 0 : i32
    %dma_wait3A_32 = arith.constant 0 : i32
    %dma_wait3A_33 = tpu.memref_slice %arg2[%dma_wait3A_31, %dma_wait3A_32] : memref<10000x128xf32, #tpu.memory_space<hbm>> -> memref<10000x128xf32, #tpu.memory_space<hbm>>
    tpu.wait_indirect_dma semaphore(%arg11 : memref<!tpu.dma_semaphore, #tpu.memory_space<semaphore_mem>>) src(%dma_wait3A_33 : memref<10000x128xf32, #tpu.memory_space<hbm>>) dst(%arg10 : memref<125x128xf32, #tpu.memory_space<vmem>>)
    %run_scoped3A_34 = arith.constant 39 : i32
    "tpu.region"() ({
      %run_scoped3A_72 = tpu.sem_alloc : memref<!tpu.dma_semaphore, #tpu.memory_space<semaphore_mem>>
      %dma_start3A_73 = arith.constant 0 : i32
      %dma_start3A_74 = tpu.memref_slice %arg8[%run_scoped3A_34, %dma_start3A_73] : memref<40x125xi32, #tpu.memory_space<vmem>> -> memref<1x125xi32, #tpu.memory_space<vmem>>
      %dma_start3A_75 = tpu.memref_squeeze %dma_start3A_74 : memref<1x125xi32, #tpu.memory_space<vmem>> -> memref<125xi32, #tpu.memory_space<vmem>>
      %dma_start3A_76 = arith.constant 0 : i32
      %dma_start3A_77 = arith.constant 0 : i32
      %dma_start3A_78 = tpu.memref_slice %arg12[%dma_start3A_76, %dma_start3A_77] : memref<10112x128xf32, #tpu.memory_space<vmem_shared>> -> memref<10112x128xf32, #tpu.memory_space<vmem_shared>>
      tpu.enqueue_indirect_dma source(%arg10 : memref<125x128xf32, #tpu.memory_space<vmem>>) target(%dma_start3A_78 : memref<10112x128xf32, #tpu.memory_space<vmem_shared>>) offsets(%dma_start3A_75 : memref<125xi32, #tpu.memory_space<vmem>>) semaphore(%run_scoped3A_72 : memref<!tpu.dma_semaphore, #tpu.memory_space<semaphore_mem>>) {add = true}
      %dma_wait3A_79 = arith.constant 0 : i32
      %dma_wait3A_80 = tpu.memref_slice %arg8[%run_scoped3A_34, %dma_wait3A_79] : memref<40x125xi32, #tpu.memory_space<vmem>> -> memref<1x125xi32, #tpu.memory_space<vmem>>
      %dma_wait3A_81 = tpu.memref_squeeze %dma_wait3A_80 : memref<1x125xi32, #tpu.memory_space<vmem>> -> memref<125xi32, #tpu.memory_space<vmem>>
      %dma_wait3A_82 = arith.constant 0 : i32
      %dma_wait3A_83 = arith.constant 0 : i32
      %dma_wait3A_84 = tpu.memref_slice %arg12[%dma_wait3A_82, %dma_wait3A_83] : memref<10112x128xf32, #tpu.memory_space<vmem_shared>> -> memref<10112x128xf32, #tpu.memory_space<vmem_shared>>
      tpu.wait_indirect_dma semaphore(%run_scoped3A_72 : memref<!tpu.dma_semaphore, #tpu.memory_space<semaphore_mem>>) src(%arg10 : memref<125x128xf32, #tpu.memory_space<vmem>>) dst(%dma_wait3A_84 : memref<10112x128xf32, #tpu.memory_space<vmem_shared>>)
      tpu.yield
    }) : () -> ()
    "tpu.region"() ({
      %run_scoped3A_72 = tpu.sem_alloc : memref<!tpu.dma_semaphore, #tpu.memory_space<semaphore_mem>>
      %dma_start3A_73 = arith.constant 40 : i32
      %dma_start3A_74 = arith.constant 0 : i32
      %dma_start3A_75 = tpu.memref_slice %arg3[%add3A, %dma_start3A_73, %dma_start3A_74] : memref<32x80x125xi32, #tpu.memory_space<hbm>> -> memref<1x40x125xi32, #tpu.memory_space<hbm>>
      %dma_start3A_76 = tpu.memref_squeeze %dma_start3A_75 : memref<1x40x125xi32, #tpu.memory_space<hbm>> -> memref<40x125xi32, #tpu.memory_space<hbm>>
      %dma_start3A_77 = arith.constant 40 : i32
      %dma_start3A_78 = arith.constant 0 : i32
      %dma_start3A_79 = tpu.memref_slice %arg3[%add3A, %dma_start3A_77, %dma_start3A_78] : memref<32x80x125xi32, #tpu.memory_space<hbm>> -> memref<1x40x125xi32, #tpu.memory_space<hbm>>
      %dma_start3A_80 = tpu.memref_squeeze %dma_start3A_79 : memref<1x40x125xi32, #tpu.memory_space<hbm>> -> memref<40x125xi32, #tpu.memory_space<hbm>>
      tpu.enqueue_dma source(%dma_start3A_80 : memref<40x125xi32, #tpu.memory_space<hbm>>) target(%arg7 : memref<40x125xi32, #tpu.memory_space<vmem>>) target_semaphore(%run_scoped3A_72 : memref<!tpu.dma_semaphore, #tpu.memory_space<semaphore_mem>>)
      %dma_wait3A_81 = arith.constant 40 : i32
      %dma_wait3A_82 = arith.constant 0 : i32
      %dma_wait3A_83 = tpu.memref_slice %arg3[%add3A, %dma_wait3A_81, %dma_wait3A_82] : memref<32x80x125xi32, #tpu.memory_space<hbm>> -> memref<1x40x125xi32, #tpu.memory_space<hbm>>
      %dma_wait3A_84 = tpu.memref_squeeze %dma_wait3A_83 : memref<1x40x125xi32, #tpu.memory_space<hbm>> -> memref<40x125xi32, #tpu.memory_space<hbm>>
      %dma_wait3A_85 = arith.constant 40 : i32
      %dma_wait3A_86 = arith.constant 0 : i32
      %dma_wait3A_87 = tpu.memref_slice %arg3[%add3A, %dma_wait3A_85, %dma_wait3A_86] : memref<32x80x125xi32, #tpu.memory_space<hbm>> -> memref<1x40x125xi32, #tpu.memory_space<hbm>>
      %dma_wait3A_88 = tpu.memref_squeeze %dma_wait3A_87 : memref<1x40x125xi32, #tpu.memory_space<hbm>> -> memref<40x125xi32, #tpu.memory_space<hbm>>
      tpu.wait_dma2 semaphore(%run_scoped3A_72 : memref<!tpu.dma_semaphore, #tpu.memory_space<semaphore_mem>>) src(%dma_wait3A_88 : memref<40x125xi32, #tpu.memory_space<hbm>>) dst(%arg7 : memref<40x125xi32, #tpu.memory_space<vmem>>)
      tpu.yield
    }) : () -> ()
    "tpu.region"() ({
      %run_scoped3A_72 = tpu.sem_alloc : memref<!tpu.dma_semaphore, #tpu.memory_space<semaphore_mem>>
      %dma_start3A_73 = arith.constant 40 : i32
      %dma_start3A_74 = arith.constant 0 : i32
      %dma_start3A_75 = tpu.memref_slice %arg4[%add3A, %dma_start3A_73, %dma_start3A_74] : memref<32x80x125xi32, #tpu.memory_space<hbm>> -> memref<1x40x125xi32, #tpu.memory_space<hbm>>
      %dma_start3A_76 = tpu.memref_squeeze %dma_start3A_75 : memref<1x40x125xi32, #tpu.memory_space<hbm>> -> memref<40x125xi32, #tpu.memory_space<hbm>>
      %dma_start3A_77 = arith.constant 40 : i32
      %dma_start3A_78 = arith.constant 0 : i32
      %dma_start3A_79 = tpu.memref_slice %arg4[%add3A, %dma_start3A_77, %dma_start3A_78] : memref<32x80x125xi32, #tpu.memory_space<hbm>> -> memref<1x40x125xi32, #tpu.memory_space<hbm>>
      %dma_start3A_80 = tpu.memref_squeeze %dma_start3A_79 : memref<1x40x125xi32, #tpu.memory_space<hbm>> -> memref<40x125xi32, #tpu.memory_space<hbm>>
      tpu.enqueue_dma source(%dma_start3A_80 : memref<40x125xi32, #tpu.memory_space<hbm>>) target(%arg8 : memref<40x125xi32, #tpu.memory_space<vmem>>) target_semaphore(%run_scoped3A_72 : memref<!tpu.dma_semaphore, #tpu.memory_space<semaphore_mem>>)
      %dma_wait3A_81 = arith.constant 40 : i32
      %dma_wait3A_82 = arith.constant 0 : i32
      %dma_wait3A_83 = tpu.memref_slice %arg4[%add3A, %dma_wait3A_81, %dma_wait3A_82] : memref<32x80x125xi32, #tpu.memory_space<hbm>> -> memref<1x40x125xi32, #tpu.memory_space<hbm>>
      %dma_wait3A_84 = tpu.memref_squeeze %dma_wait3A_83 : memref<1x40x125xi32, #tpu.memory_space<hbm>> -> memref<40x125xi32, #tpu.memory_space<hbm>>
      %dma_wait3A_85 = arith.constant 40 : i32
      %dma_wait3A_86 = arith.constant 0 : i32
      %dma_wait3A_87 = tpu.memref_slice %arg4[%add3A, %dma_wait3A_85, %dma_wait3A_86] : memref<32x80x125xi32, #tpu.memory_space<hbm>> -> memref<1x40x125xi32, #tpu.memory_space<hbm>>
      %dma_wait3A_88 = tpu.memref_squeeze %dma_wait3A_87 : memref<1x40x125xi32, #tpu.memory_space<hbm>> -> memref<40x125xi32, #tpu.memory_space<hbm>>
      tpu.wait_dma2 semaphore(%run_scoped3A_72 : memref<!tpu.dma_semaphore, #tpu.memory_space<semaphore_mem>>) src(%dma_wait3A_88 : memref<40x125xi32, #tpu.memory_space<hbm>>) dst(%arg8 : memref<40x125xi32, #tpu.memory_space<vmem>>)
      tpu.yield
    }) : () -> ()
    %dma_start3A_35 = arith.constant 0 : i32
    %dma_start3A_36 = arith.constant 0 : i32
    %dma_start3A_37 = tpu.memref_slice %arg7[%dma_start3A_35, %dma_start3A_36] : memref<40x125xi32, #tpu.memory_space<vmem>> -> memref<1x125xi32, #tpu.memory_space<vmem>>
    %dma_start3A_38 = tpu.memref_squeeze %dma_start3A_37 : memref<1x125xi32, #tpu.memory_space<vmem>> -> memref<125xi32, #tpu.memory_space<vmem>>
    %dma_start3A_39 = arith.constant 0 : i32
    %dma_start3A_40 = arith.constant 0 : i32
    %dma_start3A_41 = tpu.memref_slice %arg2[%dma_start3A_39, %dma_start3A_40] : memref<10000x128xf32, #tpu.memory_space<hbm>> -> memref<10000x128xf32, #tpu.memory_space<hbm>>
    tpu.enqueue_indirect_dma source(%dma_start3A_41 : memref<10000x128xf32, #tpu.memory_space<hbm>>) target(%arg9 : memref<125x128xf32, #tpu.memory_space<vmem>>) offsets(%dma_start3A_38 : memref<125xi32, #tpu.memory_space<vmem>>) semaphore(%arg11 : memref<!tpu.dma_semaphore, #tpu.memory_space<semaphore_mem>>)
    %dma_start3A_42 = arith.constant 1 : i32
    %dma_start3A_43 = arith.constant 0 : i32
    %dma_start3A_44 = tpu.memref_slice %arg7[%dma_start3A_42, %dma_start3A_43] : memref<40x125xi32, #tpu.memory_space<vmem>> -> memref<1x125xi32, #tpu.memory_space<vmem>>
    %dma_start3A_45 = tpu.memref_squeeze %dma_start3A_44 : memref<1x125xi32, #tpu.memory_space<vmem>> -> memref<125xi32, #tpu.memory_space<vmem>>
    %dma_start3A_46 = arith.constant 0 : i32
    %dma_start3A_47 = arith.constant 0 : i32
    %dma_start3A_48 = tpu.memref_slice %arg2[%dma_start3A_46, %dma_start3A_47] : memref<10000x128xf32, #tpu.memory_space<hbm>> -> memref<10000x128xf32, #tpu.memory_space<hbm>>
    tpu.enqueue_indirect_dma source(%dma_start3A_48 : memref<10000x128xf32, #tpu.memory_space<hbm>>) target(%arg10 : memref<125x128xf32, #tpu.memory_space<vmem>>) offsets(%dma_start3A_45 : memref<125xi32, #tpu.memory_space<vmem>>) semaphore(%arg11 : memref<!tpu.dma_semaphore, #tpu.memory_space<semaphore_mem>>)
    %scan3A_49 = arith.constant 0 : i32
    %scan3A_50 = arith.constant 0 : i32
    %scan3A_51 = arith.constant 19 : i32
    %scan3A_52 = arith.addi %scan3A_50, %scan3A_51 : i32
    %scan3A_53 = arith.constant 1 : i32
    scf.for %scan3A_72 = %scan3A_50 to %scan3A_52 step %scan3A_53  : i32 {
      %mul3A_73 = arith.constant 2 : i32
      %mul3A_74 = arith.muli %mul3A_73, %scan3A_72 : i32
      %add3A_75 = arith.constant 0 : i32
      %add3A_76 = arith.addi %mul3A_74, %add3A_75 : i32
      %dma_wait3A_77 = arith.constant 0 : i32
      %dma_wait3A_78 = tpu.memref_slice %arg7[%add3A_76, %dma_wait3A_77] : memref<40x125xi32, #tpu.memory_space<vmem>> -> memref<1x125xi32, #tpu.memory_space<vmem>>
      %dma_wait3A_79 = tpu.memref_squeeze %dma_wait3A_78 : memref<1x125xi32, #tpu.memory_space<vmem>> -> memref<125xi32, #tpu.memory_space<vmem>>
      %dma_wait3A_80 = arith.constant 0 : i32
      %dma_wait3A_81 = arith.constant 0 : i32
      %dma_wait3A_82 = tpu.memref_slice %arg2[%dma_wait3A_80, %dma_wait3A_81] : memref<10000x128xf32, #tpu.memory_space<hbm>> -> memref<10000x128xf32, #tpu.memory_space<hbm>>
      tpu.wait_indirect_dma semaphore(%arg11 : memref<!tpu.dma_semaphore, #tpu.memory_space<semaphore_mem>>) src(%dma_wait3A_82 : memref<10000x128xf32, #tpu.memory_space<hbm>>) dst(%arg9 : memref<125x128xf32, #tpu.memory_space<vmem>>)
      "tpu.region"() ({
        %run_scoped3A_109 = tpu.sem_alloc : memref<!tpu.dma_semaphore, #tpu.memory_space<semaphore_mem>>
        %dma_start3A_110 = arith.constant 0 : i32
        %dma_start3A_111 = tpu.memref_slice %arg8[%add3A_76, %dma_start3A_110] : memref<40x125xi32, #tpu.memory_space<vmem>> -> memref<1x125xi32, #tpu.memory_space<vmem>>
        %dma_start3A_112 = tpu.memref_squeeze %dma_start3A_111 : memref<1x125xi32, #tpu.memory_space<vmem>> -> memref<125xi32, #tpu.memory_space<vmem>>
        %dma_start3A_113 = arith.constant 0 : i32
        %dma_start3A_114 = arith.constant 0 : i32
        %dma_start3A_115 = tpu.memref_slice %arg12[%dma_start3A_113, %dma_start3A_114] : memref<10112x128xf32, #tpu.memory_space<vmem_shared>> -> memref<10112x128xf32, #tpu.memory_space<vmem_shared>>
        tpu.enqueue_indirect_dma source(%arg9 : memref<125x128xf32, #tpu.memory_space<vmem>>) target(%dma_start3A_115 : memref<10112x128xf32, #tpu.memory_space<vmem_shared>>) offsets(%dma_start3A_112 : memref<125xi32, #tpu.memory_space<vmem>>) semaphore(%run_scoped3A_109 : memref<!tpu.dma_semaphore, #tpu.memory_space<semaphore_mem>>) {add = true}
        %dma_wait3A_116 = arith.constant 0 : i32
        %dma_wait3A_117 = tpu.memref_slice %arg8[%add3A_76, %dma_wait3A_116] : memref<40x125xi32, #tpu.memory_space<vmem>> -> memref<1x125xi32, #tpu.memory_space<vmem>>
        %dma_wait3A_118 = tpu.memref_squeeze %dma_wait3A_117 : memref<1x125xi32, #tpu.memory_space<vmem>> -> memref<125xi32, #tpu.memory_space<vmem>>
        %dma_wait3A_119 = arith.constant 0 : i32
        %dma_wait3A_120 = arith.constant 0 : i32
        %dma_wait3A_121 = tpu.memref_slice %arg12[%dma_wait3A_119, %dma_wait3A_120] : memref<10112x128xf32, #tpu.memory_space<vmem_shared>> -> memref<10112x128xf32, #tpu.memory_space<vmem_shared>>
        tpu.wait_indirect_dma semaphore(%run_scoped3A_109 : memref<!tpu.dma_semaphore, #tpu.memory_space<semaphore_mem>>) src(%arg9 : memref<125x128xf32, #tpu.memory_space<vmem>>) dst(%dma_wait3A_121 : memref<10112x128xf32, #tpu.memory_space<vmem_shared>>)
        tpu.yield
      }) : () -> ()
      %add3A_83 = arith.constant 2 : i32
      %add3A_84 = arith.addi %add3A_76, %add3A_83 : i32
      %dma_start3A_85 = arith.constant 0 : i32
      %dma_start3A_86 = tpu.memref_slice %arg7[%add3A_84, %dma_start3A_85] : memref<40x125xi32, #tpu.memory_space<vmem>> -> memref<1x125xi32, #tpu.memory_space<vmem>>
      %dma_start3A_87 = tpu.memref_squeeze %dma_start3A_86 : memref<1x125xi32, #tpu.memory_space<vmem>> -> memref<125xi32, #tpu.memory_space<vmem>>
      %dma_start3A_88 = arith.constant 0 : i32
      %dma_start3A_89 = arith.constant 0 : i32
      %dma_start3A_90 = tpu.memref_slice %arg2[%dma_start3A_88, %dma_start3A_89] : memref<10000x128xf32, #tpu.memory_space<hbm>> -> memref<10000x128xf32, #tpu.memory_space<hbm>>
      tpu.enqueue_indirect_dma source(%dma_start3A_90 : memref<10000x128xf32, #tpu.memory_space<hbm>>) target(%arg9 : memref<125x128xf32, #tpu.memory_space<vmem>>) offsets(%dma_start3A_87 : memref<125xi32, #tpu.memory_space<vmem>>) semaphore(%arg11 : memref<!tpu.dma_semaphore, #tpu.memory_space<semaphore_mem>>)
      %mul3A_91 = arith.constant 2 : i32
      %mul3A_92 = arith.muli %mul3A_91, %scan3A_72 : i32
      %add3A_93 = arith.constant 1 : i32
      %add3A_94 = arith.addi %mul3A_92, %add3A_93 : i32
      %dma_wait3A_95 = arith.constant 0 : i32
      %dma_wait3A_96 = tpu.memref_slice %arg7[%add3A_94, %dma_wait3A_95] : memref<40x125xi32, #tpu.memory_space<vmem>> -> memref<1x125xi32, #tpu.memory_space<vmem>>
      %dma_wait3A_97 = tpu.memref_squeeze %dma_wait3A_96 : memref<1x125xi32, #tpu.memory_space<vmem>> -> memref<125xi32, #tpu.memory_space<vmem>>
      %dma_wait3A_98 = arith.constant 0 : i32
      %dma_wait3A_99 = arith.constant 0 : i32
      %dma_wait3A_100 = tpu.memref_slice %arg2[%dma_wait3A_98, %dma_wait3A_99] : memref<10000x128xf32, #tpu.memory_space<hbm>> -> memref<10000x128xf32, #tpu.memory_space<hbm>>
      tpu.wait_indirect_dma semaphore(%arg11 : memref<!tpu.dma_semaphore, #tpu.memory_space<semaphore_mem>>) src(%dma_wait3A_100 : memref<10000x128xf32, #tpu.memory_space<hbm>>) dst(%arg10 : memref<125x128xf32, #tpu.memory_space<vmem>>)
      "tpu.region"() ({
        %run_scoped3A_109 = tpu.sem_alloc : memref<!tpu.dma_semaphore, #tpu.memory_space<semaphore_mem>>
        %dma_start3A_110 = arith.constant 0 : i32
        %dma_start3A_111 = tpu.memref_slice %arg8[%add3A_94, %dma_start3A_110] : memref<40x125xi32, #tpu.memory_space<vmem>> -> memref<1x125xi32, #tpu.memory_space<vmem>>
        %dma_start3A_112 = tpu.memref_squeeze %dma_start3A_111 : memref<1x125xi32, #tpu.memory_space<vmem>> -> memref<125xi32, #tpu.memory_space<vmem>>
        %dma_start3A_113 = arith.constant 0 : i32
        %dma_start3A_114 = arith.constant 0 : i32
        %dma_start3A_115 = tpu.memref_slice %arg12[%dma_start3A_113, %dma_start3A_114] : memref<10112x128xf32, #tpu.memory_space<vmem_shared>> -> memref<10112x128xf32, #tpu.memory_space<vmem_shared>>
        tpu.enqueue_indirect_dma source(%arg10 : memref<125x128xf32, #tpu.memory_space<vmem>>) target(%dma_start3A_115 : memref<10112x128xf32, #tpu.memory_space<vmem_shared>>) offsets(%dma_start3A_112 : memref<125xi32, #tpu.memory_space<vmem>>) semaphore(%run_scoped3A_109 : memref<!tpu.dma_semaphore, #tpu.memory_space<semaphore_mem>>) {add = true}
        %dma_wait3A_116 = arith.constant 0 : i32
        %dma_wait3A_117 = tpu.memref_slice %arg8[%add3A_94, %dma_wait3A_116] : memref<40x125xi32, #tpu.memory_space<vmem>> -> memref<1x125xi32, #tpu.memory_space<vmem>>
        %dma_wait3A_118 = tpu.memref_squeeze %dma_wait3A_117 : memref<1x125xi32, #tpu.memory_space<vmem>> -> memref<125xi32, #tpu.memory_space<vmem>>
        %dma_wait3A_119 = arith.constant 0 : i32
        %dma_wait3A_120 = arith.constant 0 : i32
        %dma_wait3A_121 = tpu.memref_slice %arg12[%dma_wait3A_119, %dma_wait3A_120] : memref<10112x128xf32, #tpu.memory_space<vmem_shared>> -> memref<10112x128xf32, #tpu.memory_space<vmem_shared>>
        tpu.wait_indirect_dma semaphore(%run_scoped3A_109 : memref<!tpu.dma_semaphore, #tpu.memory_space<semaphore_mem>>) src(%arg10 : memref<125x128xf32, #tpu.memory_space<vmem>>) dst(%dma_wait3A_121 : memref<10112x128xf32, #tpu.memory_space<vmem_shared>>)
        tpu.yield
      }) : () -> ()
      %add3A_101 = arith.constant 2 : i32
      %add3A_102 = arith.addi %add3A_94, %add3A_101 : i32
      %dma_start3A_103 = arith.constant 0 : i32
      %dma_start3A_104 = tpu.memref_slice %arg7[%add3A_102, %dma_start3A_103] : memref<40x125xi32, #tpu.memory_space<vmem>> -> memref<1x125xi32, #tpu.memory_space<vmem>>
      %dma_start3A_105 = tpu.memref_squeeze %dma_start3A_104 : memref<1x125xi32, #tpu.memory_space<vmem>> -> memref<125xi32, #tpu.memory_space<vmem>>
      %dma_start3A_106 = arith.constant 0 : i32
      %dma_start3A_107 = arith.constant 0 : i32
      %dma_start3A_108 = tpu.memref_slice %arg2[%dma_start3A_106, %dma_start3A_107] : memref<10000x128xf32, #tpu.memory_space<hbm>> -> memref<10000x128xf32, #tpu.memory_space<hbm>>
      tpu.enqueue_indirect_dma source(%dma_start3A_108 : memref<10000x128xf32, #tpu.memory_space<hbm>>) target(%arg10 : memref<125x128xf32, #tpu.memory_space<vmem>>) offsets(%dma_start3A_105 : memref<125xi32, #tpu.memory_space<vmem>>) semaphore(%arg11 : memref<!tpu.dma_semaphore, #tpu.memory_space<semaphore_mem>>)
    }
    %scan3A_54 = arith.constant 19 : i32
    %dma_wait3A_55 = arith.constant 38 : i32
    %dma_wait3A_56 = arith.constant 0 : i32
    %dma_wait3A_57 = tpu.memref_slice %arg7[%dma_wait3A_55, %dma_wait3A_56] : memref<40x125xi32, #tpu.memory_space<vmem>> -> memref<1x125xi32, #tpu.memory_space<vmem>>
    %dma_wait3A_58 = tpu.memref_squeeze %dma_wait3A_57 : memref<1x125xi32, #tpu.memory_space<vmem>> -> memref<125xi32, #tpu.memory_space<vmem>>
    %dma_wait3A_59 = arith.constant 0 : i32
    %dma_wait3A_60 = arith.constant 0 : i32
    %dma_wait3A_61 = tpu.memref_slice %arg2[%dma_wait3A_59, %dma_wait3A_60] : memref<10000x128xf32, #tpu.memory_space<hbm>> -> memref<10000x128xf32, #tpu.memory_space<hbm>>
    tpu.wait_indirect_dma semaphore(%arg11 : memref<!tpu.dma_semaphore, #tpu.memory_space<semaphore_mem>>) src(%dma_wait3A_61 : memref<10000x128xf32, #tpu.memory_space<hbm>>) dst(%arg9 : memref<125x128xf32, #tpu.memory_space<vmem>>)
    %run_scoped3A_62 = arith.constant 38 : i32
    "tpu.region"() ({
      %run_scoped3A_72 = tpu.sem_alloc : memref<!tpu.dma_semaphore, #tpu.memory_space<semaphore_mem>>
      %dma_start3A_73 = arith.constant 0 : i32
      %dma_start3A_74 = tpu.memref_slice %arg8[%run_scoped3A_62, %dma_start3A_73] : memref<40x125xi32, #tpu.memory_space<vmem>> -> memref<1x125xi32, #tpu.memory_space<vmem>>
      %dma_start3A_75 = tpu.memref_squeeze %dma_start3A_74 : memref<1x125xi32, #tpu.memory_space<vmem>> -> memref<125xi32, #tpu.memory_space<vmem>>
      %dma_start3A_76 = arith.constant 0 : i32
      %dma_start3A_77 = arith.constant 0 : i32
      %dma_start3A_78 = tpu.memref_slice %arg12[%dma_start3A_76, %dma_start3A_77] : memref<10112x128xf32, #tpu.memory_space<vmem_shared>> -> memref<10112x128xf32, #tpu.memory_space<vmem_shared>>
      tpu.enqueue_indirect_dma source(%arg9 : memref<125x128xf32, #tpu.memory_space<vmem>>) target(%dma_start3A_78 : memref<10112x128xf32, #tpu.memory_space<vmem_shared>>) offsets(%dma_start3A_75 : memref<125xi32, #tpu.memory_space<vmem>>) semaphore(%run_scoped3A_72 : memref<!tpu.dma_semaphore, #tpu.memory_space<semaphore_mem>>) {add = true}
      %dma_wait3A_79 = arith.constant 0 : i32
      %dma_wait3A_80 = tpu.memref_slice %arg8[%run_scoped3A_62, %dma_wait3A_79] : memref<40x125xi32, #tpu.memory_space<vmem>> -> memref<1x125xi32, #tpu.memory_space<vmem>>
      %dma_wait3A_81 = tpu.memref_squeeze %dma_wait3A_80 : memref<1x125xi32, #tpu.memory_space<vmem>> -> memref<125xi32, #tpu.memory_space<vmem>>
      %dma_wait3A_82 = arith.constant 0 : i32
      %dma_wait3A_83 = arith.constant 0 : i32
      %dma_wait3A_84 = tpu.memref_slice %arg12[%dma_wait3A_82, %dma_wait3A_83] : memref<10112x128xf32, #tpu.memory_space<vmem_shared>> -> memref<10112x128xf32, #tpu.memory_space<vmem_shared>>
      tpu.wait_indirect_dma semaphore(%run_scoped3A_72 : memref<!tpu.dma_semaphore, #tpu.memory_space<semaphore_mem>>) src(%arg9 : memref<125x128xf32, #tpu.memory_space<vmem>>) dst(%dma_wait3A_84 : memref<10112x128xf32, #tpu.memory_space<vmem_shared>>)
      tpu.yield
    }) : () -> ()
    %dma_wait3A_63 = arith.constant 39 : i32
    %dma_wait3A_64 = arith.constant 0 : i32
    %dma_wait3A_65 = tpu.memref_slice %arg7[%dma_wait3A_63, %dma_wait3A_64] : memref<40x125xi32, #tpu.memory_space<vmem>> -> memref<1x125xi32, #tpu.memory_space<vmem>>
    %dma_wait3A_66 = tpu.memref_squeeze %dma_wait3A_65 : memref<1x125xi32, #tpu.memory_space<vmem>> -> memref<125xi32, #tpu.memory_space<vmem>>
    %dma_wait3A_67 = arith.constant 0 : i32
    %dma_wait3A_68 = arith.constant 0 : i32
    %dma_wait3A_69 = tpu.memref_slice %arg2[%dma_wait3A_67, %dma_wait3A_68] : memref<10000x128xf32, #tpu.memory_space<hbm>> -> memref<10000x128xf32, #tpu.memory_space<hbm>>
    tpu.wait_indirect_dma semaphore(%arg11 : memref<!tpu.dma_semaphore, #tpu.memory_space<semaphore_mem>>) src(%dma_wait3A_69 : memref<10000x128xf32, #tpu.memory_space<hbm>>) dst(%arg10 : memref<125x128xf32, #tpu.memory_space<vmem>>)
    %run_scoped3A_70 = arith.constant 39 : i32
    "tpu.region"() ({
      %run_scoped3A_72 = tpu.sem_alloc : memref<!tpu.dma_semaphore, #tpu.memory_space<semaphore_mem>>
      %dma_start3A_73 = arith.constant 0 : i32
      %dma_start3A_74 = tpu.memref_slice %arg8[%run_scoped3A_70, %dma_start3A_73] : memref<40x125xi32, #tpu.memory_space<vmem>> -> memref<1x125xi32, #tpu.memory_space<vmem>>
      %dma_start3A_75 = tpu.memref_squeeze %dma_start3A_74 : memref<1x125xi32, #tpu.memory_space<vmem>> -> memref<125xi32, #tpu.memory_space<vmem>>
      %dma_start3A_76 = arith.constant 0 : i32
      %dma_start3A_77 = arith.constant 0 : i32
      %dma_start3A_78 = tpu.memref_slice %arg12[%dma_start3A_76, %dma_start3A_77] : memref<10112x128xf32, #tpu.memory_space<vmem_shared>> -> memref<10112x128xf32, #tpu.memory_space<vmem_shared>>
      tpu.enqueue_indirect_dma source(%arg10 : memref<125x128xf32, #tpu.memory_space<vmem>>) target(%dma_start3A_78 : memref<10112x128xf32, #tpu.memory_space<vmem_shared>>) offsets(%dma_start3A_75 : memref<125xi32, #tpu.memory_space<vmem>>) semaphore(%run_scoped3A_72 : memref<!tpu.dma_semaphore, #tpu.memory_space<semaphore_mem>>) {add = true}
      %dma_wait3A_79 = arith.constant 0 : i32
      %dma_wait3A_80 = tpu.memref_slice %arg8[%run_scoped3A_70, %dma_wait3A_79] : memref<40x125xi32, #tpu.memory_space<vmem>> -> memref<1x125xi32, #tpu.memory_space<vmem>>
      %dma_wait3A_81 = tpu.memref_squeeze %dma_wait3A_80 : memref<1x125xi32, #tpu.memory_space<vmem>> -> memref<125xi32, #tpu.memory_space<vmem>>
      %dma_wait3A_82 = arith.constant 0 : i32
      %dma_wait3A_83 = arith.constant 0 : i32
      %dma_wait3A_84 = tpu.memref_slice %arg12[%dma_wait3A_82, %dma_wait3A_83] : memref<10112x128xf32, #tpu.memory_space<vmem_shared>> -> memref<10112x128xf32, #tpu.memory_space<vmem_shared>>
      tpu.wait_indirect_dma semaphore(%run_scoped3A_72 : memref<!tpu.dma_semaphore, #tpu.memory_space<semaphore_mem>>) src(%arg10 : memref<125x128xf32, #tpu.memory_space<vmem>>) dst(%dma_wait3A_84 : memref<10112x128xf32, #tpu.memory_space<vmem_shared>>)
      tpu.yield
    }) : () -> ()
    %barrier3A_71 = arith.constant 0 : index
    tpu.barrier barrier_id(%barrier3A_71)
    "tpu.region"() ({
      %run_scoped3A_72 = tpu.sem_alloc : memref<!tpu.dma_semaphore, #tpu.memory_space<semaphore_mem>>
      %dma_start3A_73 = arith.constant 0 : i32
      %dma_start3A_74 = tpu.memref_slice %arg6[%arg0, %mul3A_2, %dma_start3A_73] : memref<2x10112x128xf32, #tpu.memory_space<hbm>> -> memref<1x632x128xf32, #tpu.memory_space<hbm>>
      %dma_start3A_75 = tpu.memref_squeeze %dma_start3A_74 : memref<1x632x128xf32, #tpu.memory_space<hbm>> -> memref<632x128xf32, #tpu.memory_space<hbm>>
      %dma_start3A_76 = arith.constant 0 : i32
      %dma_start3A_77 = tpu.memref_slice %arg12[%mul3A_2, %dma_start3A_76] : memref<10112x128xf32, #tpu.memory_space<vmem_shared>> -> memref<632x128xf32, #tpu.memory_space<vmem_shared>>
      tpu.enqueue_dma source(%dma_start3A_77 : memref<632x128xf32, #tpu.memory_space<vmem_shared>>) target(%dma_start3A_75 : memref<632x128xf32, #tpu.memory_space<hbm>>) target_semaphore(%run_scoped3A_72 : memref<!tpu.dma_semaphore, #tpu.memory_space<semaphore_mem>>)
      %dma_wait3A_78 = arith.constant 0 : i32
      %dma_wait3A_79 = tpu.memref_slice %arg6[%arg0, %mul3A_2, %dma_wait3A_78] : memref<2x10112x128xf32, #tpu.memory_space<hbm>> -> memref<1x632x128xf32, #tpu.memory_space<hbm>>
      %dma_wait3A_80 = tpu.memref_squeeze %dma_wait3A_79 : memref<1x632x128xf32, #tpu.memory_space<hbm>> -> memref<632x128xf32, #tpu.memory_space<hbm>>
      %dma_wait3A_81 = arith.constant 0 : i32
      %dma_wait3A_82 = tpu.memref_slice %arg12[%mul3A_2, %dma_wait3A_81] : memref<10112x128xf32, #tpu.memory_space<vmem_shared>> -> memref<632x128xf32, #tpu.memory_space<vmem_shared>>
      tpu.wait_dma2 semaphore(%run_scoped3A_72 : memref<!tpu.dma_semaphore, #tpu.memory_space<semaphore_mem>>) src(%dma_wait3A_82 : memref<632x128xf32, #tpu.memory_space<vmem_shared>>) dst(%dma_wait3A_80 : memref<632x128xf32, #tpu.memory_space<hbm>>)
      tpu.yield
    }) : () -> ()
    return
  }
}

module attributes {stable_mosaic.version = 14 : i64} {
  func.func @_mm_body(%arg0: i32, %arg1: memref<2000x128xf32, #tpu.memory_space<vmem>>, %arg2: memref<128x128xf32, #tpu.memory_space<vmem>>, %arg3: memref<2000x128xf32, #tpu.memory_space<vmem>>) attributes {dimension_semantics = [#tpu.dimension_semantics<arbitrary>], iteration_bounds = array<i64: 5>, scalar_prefetch = 0 : i64, scratch_operands = 0 : i64, tpu.core_type = #tpu.core_type<tc>, window_params = [{transform_indices = @transform_0, window_bounds = array<i64: 2000, 128>}, {pipeline_mode = #tpu.pipeline_mode<synchronous>, transform_indices = @transform_1, window_bounds = array<i64: 128, 128>}, {transform_indices = @transform_2, window_bounds = array<i64: 2000, 128>}]} {
    %get3A = arith.constant 0 : index
    %get3A_0 = arith.constant 0 : index
    %get3A_1 = vector.load %arg1[%get3A, %get3A_0] : memref<2000x128xf32, #tpu.memory_space<vmem>>, vector<2000x128xf32>
    %get3A_2 = arith.constant 0 : index
    %get3A_3 = arith.constant 0 : index
    %get3A_4 = vector.load %arg2[%get3A_2, %get3A_3] : memref<128x128xf32, #tpu.memory_space<vmem>>, vector<128x128xf32>
    %dot_general3A = arith.constant dense<0.000000e+00> : vector<2000x128xf32>
    %dot_general3A_5 = tpu.matmul %get3A_1, %get3A_4, %dot_general3A {dimension_numbers = #tpu.dot_dimension_numbers<[1], [1], [0], [0], [0, 0, 1, 0], [], []>, transpose_lhs_hint = false} : vector<2000x128xf32>, vector<128x128xf32>, vector<2000x128xf32> -> vector<2000x128xf32>
    %swap3A = arith.constant 0 : index
    %swap3A_6 = arith.constant 0 : index
    %swap3A_7 = vector.load %arg3[%swap3A, %swap3A_6] : memref<2000x128xf32, #tpu.memory_space<vmem>>, vector<2000x128xf32>
    tpu.vector_store %arg3[%swap3A, %swap3A_6], %dot_general3A_5 {strides = array<i32>} : memref<2000x128xf32, #tpu.memory_space<vmem>>, vector<2000x128xf32>,
    return
  }
  func.func @transform_0(%arg0: i32) -> (i32, i32) {
    %c0_i32 = arith.constant 0 : i32
    %c0_i32_0 = arith.constant 0 : i32
    return %arg0, %c0_i32 : i32, i32
  }
  func.func @transform_1(%arg0: i32) -> (i32, i32) {
    %c0_i32 = arith.constant 0 : i32
    %c0_i32_0 = arith.constant 0 : i32
    %c0_i32_1 = arith.constant 0 : i32
    return %c0_i32, %c0_i32_0 : i32, i32
  }
  func.func @transform_2(%arg0: i32) -> (i32, i32) {
    %c0_i32 = arith.constant 0 : i32
    %c0_i32_0 = arith.constant 0 : i32
    return %arg0, %c0_i32 : i32, i32
  }
}

module attributes {stable_mosaic.version = 14 : i64} {
  func.func @_fin_body(%arg0: i32, %arg1: memref<2000x128xf32, #tpu.memory_space<vmem>>, %arg2: memref<1x2000x128xf32, #tpu.memory_space<vmem>>, %arg3: memref<1x2000x128xf32, #tpu.memory_space<vmem>>, %arg4: memref<1x128xf32, #tpu.memory_space<vmem>>, %arg5: memref<1x128xf32, #tpu.memory_space<vmem>>, %arg6: memref<2000x128xf32, #tpu.memory_space<vmem>>) attributes {dimension_semantics = [#tpu.dimension_semantics<arbitrary>], iteration_bounds = array<i64: 5>, scalar_prefetch = 0 : i64, scratch_operands = 0 : i64, tpu.core_type = #tpu.core_type<tc>, window_params = [{transform_indices = @transform_0, window_bounds = array<i64: 2000, 128>}, {transform_indices = @transform_1, window_bounds = array<i64: 1, 2000, 128>}, {transform_indices = @transform_2, window_bounds = array<i64: 1, 2000, 128>}, {pipeline_mode = #tpu.pipeline_mode<synchronous>, transform_indices = @transform_3, window_bounds = array<i64: 1, 128>}, {pipeline_mode = #tpu.pipeline_mode<synchronous>, transform_indices = @transform_4, window_bounds = array<i64: 1, 128>}, {transform_indices = @transform_5, window_bounds = array<i64: 2000, 128>}]} {
    %get3A = arith.constant 0 : index
    %get3A_0 = arith.constant 0 : index
    %get3A_1 = arith.constant 0 : index
    %get3A_2 = vector.load %arg2[%get3A, %get3A_0, %get3A_1] : memref<1x2000x128xf32, #tpu.memory_space<vmem>>, vector<1x2000x128xf32>
    %get3A_3 = vector.shape_cast %get3A_2 : vector<1x2000x128xf32> to vector<2000x128xf32>
    %get3A_4 = arith.constant 0 : index
    %get3A_5 = arith.constant 0 : index
    %get3A_6 = arith.constant 0 : index
    %get3A_7 = vector.load %arg3[%get3A_4, %get3A_5, %get3A_6] : memref<1x2000x128xf32, #tpu.memory_space<vmem>>, vector<1x2000x128xf32>
    %get3A_8 = vector.shape_cast %get3A_7 : vector<1x2000x128xf32> to vector<2000x128xf32>
    %add3A = arith.addf %get3A_3, %get3A_8 : vector<2000x128xf32>
    %mul3A = arith.constant 5.000000e-01 : f32
    %mul3A_9 = vector.broadcast %mul3A : f32 to vector<2000x128xf32>
    %mul3A_10 = arith.mulf %mul3A_9, %add3A : vector<2000x128xf32>
    %mul3A_11 = arith.constant 0.707106769 : f32
    %mul3A_12 = vector.broadcast %mul3A_11 : f32 to vector<2000x128xf32>
    %mul3A_13 = arith.mulf %add3A, %mul3A_12 : vector<2000x128xf32>
    %erf3A = math.erf %mul3A_13 : vector<2000x128xf32>
    %add3A_14 = arith.constant 1.000000e+00 : f32
    %add3A_15 = vector.broadcast %add3A_14 : f32 to vector<2000x128xf32>
    %add3A_16 = arith.addf %add3A_15, %erf3A : vector<2000x128xf32>
    %mul3A_17 = arith.mulf %mul3A_10, %add3A_16 : vector<2000x128xf32>
    %get3A_18 = arith.constant 0 : index
    %get3A_19 = arith.constant 0 : index
    %get3A_20 = vector.load %arg1[%get3A_18, %get3A_19] : memref<2000x128xf32, #tpu.memory_space<vmem>>, vector<2000x128xf32>
    %add3A_21 = arith.addf %get3A_20, %mul3A_17 : vector<2000x128xf32>
    %reduce_sum3A = arith.constant dense<0.000000e+00> : vector<2000xf32>
    %reduce_sum3A_22 = vector.multi_reduction <add>, %add3A_21, %reduce_sum3A [1] : vector<2000x128xf32> to vector<2000xf32>
    %broadcast_in_dim3A = vector.shape_cast %reduce_sum3A_22 : vector<2000xf32> to vector<2000x1xf32>
    %div3A = arith.constant 1.280000e+02 : f32
    %div3A_23 = vector.broadcast %div3A : f32 to vector<2000x1xf32>
    %div3A_24 = arith.divf %broadcast_in_dim3A, %div3A_23 : vector<2000x1xf32>
    %sub3A = vector.broadcast %div3A_24 : vector<2000x1xf32> to vector<2000x128xf32>
    %sub3A_25 = arith.subf %add3A_21, %sub3A : vector<2000x128xf32>
    %mul3A_26 = arith.mulf %sub3A_25, %sub3A_25 : vector<2000x128xf32>
    %reduce_sum3A_27 = arith.constant dense<0.000000e+00> : vector<2000xf32>
    %reduce_sum3A_28 = vector.multi_reduction <add>, %mul3A_26, %reduce_sum3A_27 [1] : vector<2000x128xf32> to vector<2000xf32>
    %broadcast_in_dim3A_29 = vector.shape_cast %reduce_sum3A_28 : vector<2000xf32> to vector<2000x1xf32>
    %div3A_30 = arith.constant 1.280000e+02 : f32
    %div3A_31 = vector.broadcast %div3A_30 : f32 to vector<2000x1xf32>
    %div3A_32 = arith.divf %broadcast_in_dim3A_29, %div3A_31 : vector<2000x1xf32>
    %add3A_33 = arith.constant 9.99999974E-6 : f32
    %add3A_34 = vector.broadcast %add3A_33 : f32 to vector<2000x1xf32>
    %add3A_35 = arith.addf %div3A_32, %add3A_34 : vector<2000x1xf32>
    %rsqrt3A = math.rsqrt %add3A_35 : vector<2000x1xf32>
    %mul3A_36 = vector.broadcast %rsqrt3A : vector<2000x1xf32> to vector<2000x128xf32>
    %mul3A_37 = arith.mulf %sub3A_25, %mul3A_36 : vector<2000x128xf32>
    %get3A_38 = arith.constant 0 : index
    %get3A_39 = arith.constant 0 : index
    %get3A_40 = vector.load %arg4[%get3A_38, %get3A_39] : memref<1x128xf32, #tpu.memory_space<vmem>>, vector<1x128xf32>
    %mul3A_41 = vector.broadcast %get3A_40 : vector<1x128xf32> to vector<2000x128xf32>
    %mul3A_42 = arith.mulf %mul3A_37, %mul3A_41 : vector<2000x128xf32>
    %get3A_43 = arith.constant 0 : index
    %get3A_44 = arith.constant 0 : index
    %get3A_45 = vector.load %arg5[%get3A_43, %get3A_44] : memref<1x128xf32, #tpu.memory_space<vmem>>, vector<1x128xf32>
    %add3A_46 = vector.broadcast %get3A_45 : vector<1x128xf32> to vector<2000x128xf32>
    %add3A_47 = arith.addf %mul3A_42, %add3A_46 : vector<2000x128xf32>
    %swap3A = arith.constant 0 : index
    %swap3A_48 = arith.constant 0 : index
    %swap3A_49 = vector.load %arg6[%swap3A, %swap3A_48] : memref<2000x128xf32, #tpu.memory_space<vmem>>, vector<2000x128xf32>
    tpu.vector_store %arg6[%swap3A, %swap3A_48], %add3A_47 {strides = array<i32>} : memref<2000x128xf32, #tpu.memory_space<vmem>>, vector<2000x128xf32>,
    return
  }
  func.func @transform_0(%arg0: i32) -> (i32, i32) {
    %c0_i32 = arith.constant 0 : i32
    %c0_i32_0 = arith.constant 0 : i32
    return %arg0, %c0_i32 : i32, i32
  }
  func.func @transform_1(%arg0: i32) -> (i32, i32, i32) {
    %c0_i32 = arith.constant 0 : i32
    %c0_i32_0 = arith.constant 0 : i32
    %c0_i32_1 = arith.constant 0 : i32
    return %c0_i32, %arg0, %c0_i32_0 : i32, i32, i32
  }
  func.func @transform_2(%arg0: i32) -> (i32, i32, i32) {
    %c1_i32 = arith.constant 1 : i32
    %c0_i32 = arith.constant 0 : i32
    %c0_i32_0 = arith.constant 0 : i32
    return %c1_i32, %arg0, %c0_i32 : i32, i32, i32
  }
  func.func @transform_3(%arg0: i32) -> (i32, i32) {
    %c0_i32 = arith.constant 0 : i32
    %c0_i32_0 = arith.constant 0 : i32
    %c0_i32_1 = arith.constant 0 : i32
    return %c0_i32, %c0_i32_0 : i32, i32
  }
  func.func @transform_4(%arg0: i32) -> (i32, i32) {
    %c0_i32 = arith.constant 0 : i32
    %c0_i32_0 = arith.constant 0 : i32
    %c0_i32_1 = arith.constant 0 : i32
    return %c0_i32, %c0_i32_0 : i32, i32
  }
  func.func @transform_5(%arg0: i32) -> (i32, i32) {
    %c0_i32 = arith.constant 0 : i32
    %c0_i32_0 = arith.constant 0 : i32
    return %arg0, %c0_i32 : i32, i32
  }
}

</mosaic_0001>

<sc_bundles>
// kernel: kernel.5.cloned.1.call-start
scs
__scs_entry_jumppad:
0x0: {  	(pc) =	sbr.rel $0x88, $3  }
0x1: {  	(tag) =	ssettag $0x0;
	lr =	simm.s32 $0x1  }
0x2: {  	[smem:$0x3F9B] =	sst lr;
	_ =	strace $0xD0000000  }
0x3: {  	_ = 	snop  }
0x4: {  	_ = 	snop  }
0x5: {  	_ = 	snop  }
0x6: {  	_ = 	snop  }
0x7: {  	_ = 	snop  }
__scs_overlays_trampoline_lowered:
0x8: {  	[smem:$0x3FAA] =	sst s0  }
0x9: {  	[smem:$0x3FAB] =	sst s1  }
0xa: {  	[smem:$0x3FAC] =	sst s2  }
0xb: {  	[smem:$0x3FAD] =	sst s3  }
0xc: {  	[smem:$0x3FAE] =	sst s4  }
0xd: {  	[smem:$0x3FAF] =	sst s5  }
0xe: {  	[smem:$0x3FB0] =	sst s6  }
0xf: {  	[smem:$0x3FB1] =	sst s7  }
0x10: {  	[smem:$0x3FB2] =	sst s8  }
0x11: {  	[smem:$0x3FB3] =	sst s9;
	s0 =	simm.s32 @!p0 $0x0  }
0x12: {  	s1 =	sld [smem:$0x3F99];
	s0 =	simm.s32 @p0 $0x1  }
0x13: {  	[smem:$0x3FB4] =	sst s0;
	s0 =	simm.s32 @!p1 $0x0  }
0x14: {  	s2 =	sld [smem:$0x3F98];
	s0 =	simm.s32 @p1 $0x1  }
0x15: {  	[smem:$0x3FB5] =	sst s0;
	s0 =	simm.s32 @!p2 $0x0  }
0x16: {  	s3 =	sld [smem:$0x3FDB];
	s0 =	simm.s32 @p2 $0x1  }
0x17: {  	s4 =	simm.s32 $0x1BF5;
	[smem:$0x3FB7] =	sst s0  }
0x18: {  	s0 =	sld [smem:$0x3F9A];
	_ =	swait.ge [sflag:s4], $0x0  }
0x19: {  	s7 =	sld [smem:$0x3F9B]  }
0x1a: {  	s8 =	sadd.s32 $0xFFFFE003, lr  }
0x1b: {  	s9 =	sadd.s32 $0xFFFFFEF7, lr;
	s5 =	simm.s32 $0xFFFFFFFF;
	p2 =	slt.u32 s8, $0xFFFFF086  }
0x1c: {  	p1 =	slt.u32 s9, $0xF7A;
	s5 =	simm.s32 @!p2 $0x0  }
0x1d: {  	s5 =	simm.s32 @p1 $0x1;
	p0 =	seq.s32 s7, s2  }
0x1e: {  	s7 =	smul.u32 @!p0 $0xF7A, s2;
	p2 =	seq.s32 @!p0 s5, $0x0  }
0x1f: {  	s9 =	smul.u32 $0xF7A, s1;
	s8 =	simm.s32 @!p0 $0x1BF5;
	p2 =	por !p2, p0  }
0x20: {  	[sflag:s8] =	ssyncset.s32 @!p0 $0xFFFFF086;
	s6 =	sadd.s32 @!p0 s3, s7;
	s7 =	simm.s32 @!p0 $0x108  }
0x21: {  	s3 =	sadd.s32 s3, s9;
	s6 =	sadd.s32 @!p0 $0x88, s6;
	s7 =	simm.s32 @p2 $0x1082  }
0x22: {  	[simem:s7], [sflag:s8] =	dma.local @!p0 [hbm:s6], $0xF7A  }
0x23: {  	s9 =	sor.u32 $0xD0000000, s2;
	s6 =	simm.s32 $0x108;
	_ =	swait.ge @!p0 [sflag:s8], $0x0  }
0x24: {  	s3 =	sadd.s32 $0x88, s3;
	s6 =	simm.s32 @!p1 $0x1082;
	[sflag:s4] =	ssyncset.s32 $0xFFFFF086  }
0x25: {  	[simem:s6], [sflag:s4] =	dma.local [hbm:s3], $0xF7A  }
0x26: {  	[smem:$0x3F9B] =	sst s1;
	(tag) =	ssettag s2;
	_ =	strace s9  }
0x27: {  	s1 =	sld [smem:$0x3FAB]  }
0x28: {  	s2 =	sld [smem:$0x3FAC]  }
0x29: {  	s4 =	sld [smem:$0x3FAE]  }
0x2a: {  	p0 =	seq.s32 s5, $0x0;
	s5 =	sld [smem:$0x3FAF]  }
0x2b: {  	s6 =	sld [smem:$0x3FB0]  }
0x2c: {  	s7 =	sld [smem:$0x3FB1]  }
0x2d: {  	s3 =	simm.s32 $0x108;
	s8 =	sld [smem:$0x3FB2]  }
0x2e: {  	s3 =	simm.s32 @!p0 $0x1082;
	s9 =	sld [smem:$0x3FB3]  }
0x2f: {  	lr =	sadd.s32 s0, s3;
	s0 =	sld [smem:$0x3FAA]  }
0x30: {  	s3 =	sld [smem:$0x3FAD]  }
0x31: {  	[smem:$0x3FB6] =	sst s10  }
0x32: {  	s10 =	sld [smem:$0x3FB4];
	_ =	sdelay $0x3  }
0x33: {  	p0 =	seq.s32 s10, $0x1;
	s10 =	sld [smem:$0x3FB6];
	_ =	sdelay $0x3  }
0x34: {  	[smem:$0x3FB6] =	sst s10  }
0x35: {  	s10 =	sld [smem:$0x3FB5];
	_ =	sdelay $0x3  }
0x36: {  	p1 =	seq.s32 s10, $0x1;
	s10 =	sld [smem:$0x3FB6];
	_ =	sdelay $0x3  }
0x37: {  	[smem:$0x3FB6] =	sst s10  }
0x38: {  	s10 =	sld [smem:$0x3FB7]  }
0x39: {  	_ = 	snop;
	(pc) =	sbr.ind lr, $3  }
0x3a: {  	_ = 	snop  }
0x3b: {  	_ = 	snop  }
0x3c: {  	p2 =	seq.s32 s10, $0x1;
	s10 =	sld [smem:$0x3FB6]  }
0x3d: {  	_ =	shalt  }
0x3e: {  	_ =	shalt  }
0x3f: {  	_ =	shalt  }
0x40: {  	_ =	shalt  }
0x41: {  	_ =	shalt  }
0x42: {  	_ =	shalt  }
0x43: {  	_ =	shalt  }
0x44: {  	_ =	shalt  }
0x45: {  	_ =	shalt  }
0x46: {  	_ =	shalt  }
0x47: {  	_ =	shalt  }
0x48: {  	_ =	shalt  }
0x49: {  	_ =	shalt  }
0x4a: {  	_ =	shalt  }
0x4b: {  	_ =	shalt  }
0x4c: {  	_ =	shalt  }
0x4d: {  	_ =	shalt  }
0x4e: {  	_ =	shalt  }
0x4f: {  	_ =	shalt  }
0x50: {  	_ =	shalt  }
0x51: {  	_ =	shalt  }
0x52: {  	_ =	shalt  }
0x53: {  	_ =	shalt  }
0x54: {  	_ =	shalt  }
0x55: {  	_ =	shalt  }
0x56: {  	_ =	shalt  }
0x57: {  	_ =	shalt  }
0x58: {  	_ =	shalt  }
0x59: {  	_ =	shalt  }
0x5a: {  	_ =	shalt  }
0x5b: {  	_ =	shalt  }
0x5c: {  	_ =	shalt  }
0x5d: {  	_ =	shalt  }
0x5e: {  	_ =	shalt  }
0x5f: {  	_ =	shalt  }
0x60: {  	_ =	shalt  }
0x61: {  	_ =	shalt  }
0x62: {  	_ =	shalt  }
0x63: {  	_ =	shalt  }
0x64: {  	_ =	shalt  }
0x65: {  	_ =	shalt  }
0x66: {  	_ =	shalt  }
0x67: {  	_ =	shalt  }
0x68: {  	_ =	shalt  }
0x69: {  	_ =	shalt  }
0x6a: {  	_ =	shalt  }
0x6b: {  	_ =	shalt  }
0x6c: {  	_ =	shalt  }
0x6d: {  	_ =	shalt  }
0x6e: {  	_ =	shalt  }
0x6f: {  	_ =	shalt  }
0x70: {  	_ =	shalt  }
0x71: {  	_ =	shalt  }
0x72: {  	_ =	shalt  }
0x73: {  	_ =	shalt  }
0x74: {  	_ =	shalt  }
0x75: {  	_ =	shalt  }
0x76: {  	_ =	shalt  }
0x77: {  	_ =	shalt  }
0x78: {  	_ =	shalt  }
0x79: {  	_ =	shalt  }
0x7a: {  	_ =	shalt  }
0x7b: {  	_ =	shalt  }
0x7c: {  	_ =	shalt  }
0x7d: {  	_ =	shalt  }
0x7e: {  	_ =	shalt  }
0x7f: {  	_ =	shalt  }
0x80: {  	_ =	shalt  }
0x81: {  	_ =	shalt  }
0x82: {  	_ =	shalt  }
0x83: {  	_ =	shalt  }
0x84: {  	_ =	shalt  }
0x85: {  	_ =	shalt  }
0x86: {  	_ =	shalt  }
0x87: {  	_ =	shalt  }
.Lfunc_end0:
.L_simem_size_0:
called_computation_lowered:
.L_overlay_start_0:
0x88: {  	s2 =	sld [smem:$0x3FD9]  }
0x89: {  	s3 =	sld [smem:$0x3FFE];
	_ =	sdelay $0x1  }
0x8a: {  	s1 =	srdreg.scid  }
0x8b: {  	s0 =	sand.u32 $0x1, s1  }
0x8c: {  	s17 =	sshll.u32 s0, $0xA;
	s2 =	sadd.s32 s3, s2  }
0x8d: {  	s2 =	sadd.s32 s2, s17  }
0x8e: {  	[smem:$0x3FC2] =	sst s2  }
0x8f: {  	_ = 	snop  }
0x90: {  	s2 =	sld [smem:$0x3FD0];
	(tm) =	ssettm $0x1  }
0x91: {  	s18 =	sld [smem:$0x3FFB];
	_ =	sdelay $0x3  }
0x92: {  	_ =	strace s18  }
0x93: {  	s3 =	sld [smem:$0x3FFC];
	_ =	sdelay $0x3  }
0x94: {  	_ =	strace s3  }
0x95: {  	s3 =	sld [smem:$0x3FFD];
	_ =	sdelay $0x3  }
0x96: {  	_ =	strace s3  }
0x97: {  	_ =	strace $0x8FFFFFFF  }
0x98: {  	s19 =	sld [smem:$0x3FDB];
	_ =	sdelay $0x1  }
0x99: {  	s4 =	simm.s32 $_scs_section_size  }
0x9a: {  	s5 =	simm.s32 $_size__tile_overlayer_lowered;
	s6 =	simm.s32 $_tile_overlayer_lowered  }
0x9b: {  	s22 =	simm.s32 $0x1BFF;
	s21 =	sshll.u32 s6, $0x1;
	s3 =	sadd.s32 s4, s19  }
0x9c: {  	s7 =	simm.s32 $0x0;
	s20 =	sshll.u32 s5, $0x1;
	s5 =	sadd.s32 s21, s3  }
0x9d: {  	[timem:s7], [sflag:s22] =	dma.local [hbm:s5], s20  }
0x9e: {  	_ =	swait.ge [sflag:s22], s20  }
0x9f: {  	s4 =	ssub.s32 $0x0, s20;
	[sflag:s22] =	ssyncset.done $0x0  }
0xa0: {  	[sflag:s22] =	ssyncadd.s32 s4;
	_ =	sdelay $0x1  }
0xa1: {  	s23 =	simm.s32 $0x1B8B  }
0xa2: {  	_ =	swait.ge [sflag:s23], $0x1  }
0xa3: {  	[sflag:s23] =	ssyncset.done $0x0  }
0xa4: {  	s25 =	simm.s32 $0x1B8E;
	s24 =	sld [smem:$0x3FFE];
	[sflag:s23] =	ssyncadd.s32 $0xFFFFFFFF  }
0xa5: {  	s26 =	simm.s32 $execute0_lowered;
	[smem:$0x3FD2] =	sst s25  }
0xa6: {  	s5 =	sshll.u32 s26, $0x1;
	_ =	strace $0x80000046;
	[dreg:$0x1] =	wrdreg $0xFFFFFFFF  }
0xa7: {  	s28 =	simm.s32 $_size_execute0_lowered;
	s3 =	sadd.s32 s3, s5;
	[dreg:$0x0] =	wrdreg $0x0  }
0xa8: {  	s5 =	sshll.u32 s28, $0x1;
	[dreg:$0x2] =	wrdreg s3  }
0xa9: {  	[dreg:$0x3] =	wrdreg s5  }
0xaa: {  	[dreg:$0x4] =	wrdreg $0xC0  }
0xab: {  	_ =	task [dreg:s7], $0x5FFFF  }
0xac: {  	[dreg:$0x1] =	wrdreg $0xFFFFFFFF  }
0xad: {  	[dreg:$0x0] =	wrdreg $0x60  }
0xae: {  	[dreg:$0x2] =	wrdreg s2  }
0xaf: {  	[dreg:$0x3] =	wrdreg s24  }
0xb0: {  	[dreg:$0x4] =	wrdreg $0xA8000  }
0xb1: {  	[dreg:$0x5] =	wrdreg $0x9  }
0xb2: {  	_ =	task.clear_ibuf [dreg:s7], $0x6FFFF;
	_ =	strace $0x90000046  }
0xb3: {  	s29 =	simm.s32 $0x9;
	_ =	strace $0x80000048  }
0xb4: {  	_ =	swait.ge [sflag:s29], $0x1  }
0xb5: {  	[sflag:s29] =	ssyncadd.s32 $0xFFFFFFFF  }
0xb6: {  	_ =	strace $0x90000048  }
0xb7: {  	_ =	sfence  }
0xb8: {  	s30 =	sld [smem:$0x0];
	_ =	sdelay $0x2  }
0xb9: {  	s31 =	sshll.u32 s1, $0xD;
	s1 =	sshrl.u32 s1, $0x2  }
0xba: {  	s3 =	sand.u32 $0x4000, s31;
	s1 =	sadd.s32 s1, s30  }
0xbb: {  	s0 =	sor.u32 s3, s0;
	s1 =	sshll.u32 s1, $0x11  }
0xbc: {  	s0 =	sor.u32 s1, s0  }
0xbd: {  	s0 =	sadd.s32 $0x8F2B, s0  }
0xbe: {  	[sflag:s0] =	ssyncadd.remote.s32 $0x1  }
0xbf: {  	_ =	sfence.sel $0xFFFF  }
0xc0: {  	[dreg:$0x0] =	wrdreg $0xFFFFFFFF;
	(pc) =	sbr.abs _section_cstart, $3  }
0xc1: {  	[dreg:$0x1] =	wrdreg $0xFFFFFFFF  }
0xc2: {  	_ =	task.clear_ibuf [dreg:s7], $0x2FFFF;
	_ =	strace $0x9FFFFFFF  }
0xc3: {  	(tm) =	ssettm $0x7FFFFFFF  }
tec
execute0_lowered:
.L_overlay_start_1:
0x0: {  	(tag) =	ssettag $0x1  }
0x1: {  	s2 =	rddreg [dreg:$0x0]  }
0x2: {  	s5 =	rddreg [dreg:$0x1]  }
0x3: {  	s3 =	rddreg [dreg:$0x2]  }
0x4: {  	s0 =	rddreg [dreg:$0x3];
	s1 =	stileid.u32  }
0x5: {  	s6 =	srdreg.scid;
	s4 =	simm.s32 $0x0;
	s16 =	simm.s32 $0x7D  }
0x6: {  	s17 =	simm.s32 $0x2800;
	s18 =	simm.s32 $0x80;
	s19 =	simm.s32 $0x6800  }
0x7: {  	s20 =	simm.s32 $0x1;
	s21 =	simm.s32 $0x2700;
	s22 =	simm.s32 $0x2780  }
0x8: {  	s23 =	simm.s32 $0x0;
	s7 =	smul.u32 $0x13C00, s1;
	s6 =	sand.u32 $0x1, s6  }
0x9: {  	[smem:$0x7FF] =	sst s4;
	s9 =	sadd.s32 $0x1000, s5;
	s11 =	sadd.s32 $0xB000, s5  }
0xa: {  	s26 =	smul.u32 $0x4F000, s1;
	s12 =	sshll.u32 s1, $0x1;
	s30 =	sshll.u32 s1, $0x6  }
0xb: {  	s8 =	smul.u32 $0x13C000, s6;
	_ =	strace $0x80000047;
	s28 =	ssub.s32 $0x2, s6  }
0xc: {  	s6 =	sor.u32 s6, s12;
	s10 =	sshrl.u32 s7, $0x3;
	s29 =	sshrl.u32 s28, $0x1  }
0xd: {  	s12 =	smul.u32 $0x2800, s6;
	s6 =	sor.u32 $0x1C02, s30;
	s10 =	sadd.s32 s10, s5  }
0xe: {  	s7 =	sadd.s32 s7, s8;
	s8 =	sshrl.u32 s26, $0x2;
	s14 =	ssub.s32 s28, s29  }
0xf: {  	s7 =	sshrl.u32 s7, $0x3;
	s15 =	sadd.s32 s8, s3;
	s31 =	sshrl.u32 s12, $0x3  }
0x10: {  	s12 =	smax.u32 s14, $0x1;
	s14 =	simm.s32 $0x2;
	s13 =	sadd.s32 s7, s5  }
0x11: {  	s5 =	sadd.s32 $0x15000, s10;
	s7 =	sadd.s32 s9, s31;
	s10 =	sadd.s32 $0x280, s31  }
0x12: {  	s8 =	sadd.s32 s11, s31;
	s9 =	sadd.s32 s9, s10;
	s10 =	sadd.s32 s11, s10  }
0x13: {  	s11 =	sadd.s32 $0x3C800, s13;
	s13 =	sshrl.u32 s15, $0x3;
	s15 =	simm.s32 $0x1400  }
.LBB2_1:
0x14: {  	[spmem:s13], [sflag:s6] =	dma.local [hbm:s5], $0x2780  }
0x15: {  	_ =	swait.ge [sflag:s14], $0x2780  }
0x16: {  	[sflag:s14] =	ssyncset.done $0x0  }
0x17: {  	[sflag:s14] =	ssyncadd.s32 $0xFFFFD880  }
0x18: {  	[bflag:$0x0] =	sbarrier.arrive $0xFFFF  }
0x19: {  	[tilespmem:s4], [sflag:$0x2] =	stream.linear.gather [hbm4b:s7+s4], $0x1400, $0x38;
	[tilespmem:$0x1E400] =	vst v63  }
0x1a: {  	_ =	swait.ge [sflag:s14], $0x1400  }
0x1b: {  	[sflag:s14] =	ssyncset.done $0x0  }
0x1c: {  	[sflag:s14] =	ssyncadd.s32 $0xFFFFEC00  }
0x1d: {  	[tilespmem:s15], [sflag:$0x2] =	stream.linear.gather [hbm4b:s8+s4], $0x1400, $0x38;
	[tilespmem:$0x1E400] =	vst v63  }
0x1e: {  	_ =	swait.ge [sflag:s14], $0x1400  }
0x1f: {  	[sflag:s14] =	ssyncset.done $0x0  }
0x20: {  	[sflag:s14] =	ssyncadd.s32 $0xFFFFEC00  }
0x21: {  	[tilespmem:s17], [sflag:$0x1] =	stream.indirect.gather [hbm4b:s2+s16], $0x80, s4, s16, $0xb8;
	[tilespmem:$0x1E400] =	vst v63  }
0x22: {  	_ = 	snop  }
0x23: {  	[tilespmem:s19], [sflag:$0x1] =	stream.indirect.gather [hbm4b:s2+s16], $0x80, s18, s16, $0xb8;
	[tilespmem:$0x1E400] =	vst v63  }
0x24: {  	_ =	swait.ge [sflag:s20], $0x3E80  }
0x25: {  	[sflag:s20] =	ssyncset.done $0x0  }
0x26: {  	s24 =	simm.s32 $0x1400;
	[sflag:s20] =	ssyncadd.s32 $0xFFFFC180  }
0x27: {  	[spmem:s3] =	stream.indirect.scatter.add.f32 [tilespmem:s17], [sflag:$0x2], $0x80, s24, s16, $0xb8;
	[tilespmem:$0x1E400] =	vst v63  }
0x28: {  	_ =	swait.ge [sflag:s14], $0x3E80  }
0x29: {  	[sflag:s14] =	ssyncset.done $0x0  }
0x2a: {  	s30 =	simm.s32 $0x100;
	[sflag:s14] =	ssyncadd.s32 $0xFFFFC180  }
0x2b: {  	[tilespmem:s17], [sflag:$0x1] =	stream.indirect.gather [hbm4b:s2+s16], $0x80, s30, s16, $0xb8;
	[tilespmem:$0x1E400] =	vst v63  }
0x2c: {  	_ =	swait.ge [sflag:s20], $0x3E80  }
0x2d: {  	[sflag:s20] =	ssyncset.done $0x0  }
0x2e: {  	s31 =	simm.s32 $0x1480;
	[sflag:s20] =	ssyncadd.s32 $0xFFFFC180  }
0x2f: {  	[spmem:s3] =	stream.indirect.scatter.add.f32 [tilespmem:s19], [sflag:$0x2], $0x80, s31, s16, $0xb8;
	[tilespmem:$0x1E400] =	vst v63  }
0x30: {  	_ =	swait.ge [sflag:s14], $0x3E80  }
0x31: {  	[sflag:s14] =	ssyncset.done $0x0  }
0x32: {  	s25 =	simm.s32 $0x180;
	s24 =	simm.s32 $0x400;
	[sflag:s14] =	ssyncadd.s32 $0xFFFFC180  }
.LBB2_2:
0x33: {  	[tilespmem:s19], [sflag:$0x1] =	stream.indirect.gather [hbm4b:s2+s16], $0x80, s25, s16, $0xb8;
	[tilespmem:$0x1E400] =	vst v63  }
0x34: {  	s25 =	smov.u32 s24  }
0x35: {  	p0 =	sne.s32 s24, $0x4800;
	s24 =	sadd.s32 $0x400, s24;
	_ =	swait.ge [sflag:s20], $0x3E80  }
0x36: {  	s25 =	sshra.s32 s25, $0x2;
	[sflag:s20] =	ssyncset.done $0x0  }
0x37: {  	s26 =	sadd.s32 $0x1400, s25;
	[sflag:s20] =	ssyncadd.s32 $0xFFFFC180  }
0x38: {  	[spmem:s3] =	stream.indirect.scatter.add.f32 [tilespmem:s17], [sflag:$0x2], $0x80, s26, s16, $0xb8;
	[tilespmem:$0x1E400] =	vst v63  }
0x39: {  	_ =	swait.ge [sflag:s14], $0x3E80  }
0x3a: {  	[sflag:s14] =	ssyncset.done $0x0  }
0x3b: {  	s26 =	sadd.s32 $0x100, s25;
	[sflag:s14] =	ssyncadd.s32 $0xFFFFC180  }
0x3c: {  	[tilespmem:s17], [sflag:$0x1] =	stream.indirect.gather [hbm4b:s2+s16], $0x80, s26, s16, $0xb8;
	[tilespmem:$0x1E400] =	vst v63  }
0x3d: {  	_ =	swait.ge [sflag:s20], $0x3E80  }
0x3e: {  	[sflag:s20] =	ssyncset.done $0x0  }
.Ltmp0:
0x3f: {  	s26 =	sadd.s32 $0x1480, s25;
	[sflag:s20] =	ssyncadd.s32 $0xFFFFC180;
	(pc) =	sbr.rel @p0 .LBB2_2-.Ltmp0, $4  }
0x40: {  	[spmem:s3] =	stream.indirect.scatter.add.f32 [tilespmem:s19], [sflag:$0x2], $0x80, s26, s16, $0xb8;
	[tilespmem:$0x1E400] =	vst v63  }
0x41: {  	_ =	swait.ge [sflag:s14], $0x3E80  }
0x42: {  	[sflag:s14] =	ssyncset.done $0x0  }
0x43: {  	s25 =	sadd.s32 $0x180, s25;
	[sflag:s14] =	ssyncadd.s32 $0xFFFFC180  }
0x44: {  	[tilespmem:s19], [sflag:$0x1] =	stream.indirect.gather [hbm4b:s2+s16], $0x80, s25, s16, $0xb8;
	[tilespmem:$0x1E400] =	vst v63  }
0x45: {  	_ =	swait.ge [sflag:s20], $0x3E80  }
0x46: {  	[sflag:s20] =	ssyncset.done $0x0  }
0x47: {  	[sflag:s20] =	ssyncadd.s32 $0xFFFFC180  }
0x48: {  	[spmem:s3] =	stream.indirect.scatter.add.f32 [tilespmem:s17], [sflag:$0x2], $0x80, s21, s16, $0xb8;
	[tilespmem:$0x1E400] =	vst v63  }
0x49: {  	_ =	swait.ge [sflag:s14], $0x3E80  }
0x4a: {  	[sflag:s14] =	ssyncset.done $0x0  }
0x4b: {  	[sflag:s14] =	ssyncadd.s32 $0xFFFFC180  }
0x4c: {  	_ =	swait.ge [sflag:s20], $0x3E80  }
0x4d: {  	[sflag:s20] =	ssyncset.done $0x0  }
0x4e: {  	[sflag:s20] =	ssyncadd.s32 $0xFFFFC180  }
0x4f: {  	[spmem:s3] =	stream.indirect.scatter.add.f32 [tilespmem:s19], [sflag:$0x2], $0x80, s22, s16, $0xb8;
	[tilespmem:$0x1E400] =	vst v63  }
0x50: {  	_ =	swait.ge [sflag:s14], $0x3E80  }
0x51: {  	[sflag:s14] =	ssyncset.done $0x0  }
0x52: {  	s24 =	simm.s32 $0x0;
	[sflag:s14] =	ssyncadd.s32 $0xFFFFC180  }
0x53: {  	[tilespmem:s24], [sflag:$0x2] =	stream.linear.gather [hbm4b:s9+s24], $0x1400, $0x38;
	[tilespmem:$0x1E400] =	vst v63  }
0x54: {  	_ =	swait.ge [sflag:s14], $0x1400  }
0x55: {  	[sflag:s14] =	ssyncset.done $0x0  }
0x56: {  	[sflag:s14] =	ssyncadd.s32 $0xFFFFEC00  }
0x57: {  	[tilespmem:s15], [sflag:$0x2] =	stream.linear.gather [hbm4b:s10+s24], $0x1400, $0x38;
	[tilespmem:$0x1E400] =	vst v63  }
0x58: {  	_ =	swait.ge [sflag:s14], $0x1400  }
0x59: {  	[sflag:s14] =	ssyncset.done $0x0  }
0x5a: {  	[sflag:s14] =	ssyncadd.s32 $0xFFFFEC00  }
0x5b: {  	[tilespmem:s17], [sflag:$0x1] =	stream.indirect.gather [hbm4b:s2+s16], $0x80, s24, s16, $0xb8;
	[tilespmem:$0x1E400] =	vst v63  }
0x5c: {  	_ = 	snop  }
0x5d: {  	[tilespmem:s19], [sflag:$0x1] =	stream.indirect.gather [hbm4b:s2+s16], $0x80, s18, s16, $0xb8;
	[tilespmem:$0x1E400] =	vst v63  }
0x5e: {  	_ =	swait.ge [sflag:s20], $0x3E80  }
0x5f: {  	[sflag:s20] =	ssyncset.done $0x0  }
0x60: {  	s29 =	simm.s32 $0x1400;
	[sflag:s20] =	ssyncadd.s32 $0xFFFFC180  }
0x61: {  	[spmem:s3] =	stream.indirect.scatter.add.f32 [tilespmem:s17], [sflag:$0x2], $0x80, s29, s16, $0xb8;
	[tilespmem:$0x1E400] =	vst v63  }
0x62: {  	_ =	swait.ge [sflag:s14], $0x3E80  }
0x63: {  	[sflag:s14] =	ssyncset.done $0x0  }
0x64: {  	s30 =	simm.s32 $0x100;
	[sflag:s14] =	ssyncadd.s32 $0xFFFFC180  }
0x65: {  	[tilespmem:s17], [sflag:$0x1] =	stream.indirect.gather [hbm4b:s2+s16], $0x80, s30, s16, $0xb8;
	[tilespmem:$0x1E400] =	vst v63  }
0x66: {  	_ =	swait.ge [sflag:s20], $0x3E80  }
0x67: {  	[sflag:s20] =	ssyncset.done $0x0  }
0x68: {  	s31 =	simm.s32 $0x1480;
	[sflag:s20] =	ssyncadd.s32 $0xFFFFC180  }
0x69: {  	[spmem:s3] =	stream.indirect.scatter.add.f32 [tilespmem:s19], [sflag:$0x2], $0x80, s31, s16, $0xb8;
	[tilespmem:$0x1E400] =	vst v63  }
0x6a: {  	_ =	swait.ge [sflag:s14], $0x3E80  }
0x6b: {  	[sflag:s14] =	ssyncset.done $0x0  }
0x6c: {  	s25 =	simm.s32 $0x180;
	s24 =	simm.s32 $0x400;
	[sflag:s14] =	ssyncadd.s32 $0xFFFFC180  }
.LBB2_4:
0x6d: {  	[tilespmem:s19], [sflag:$0x1] =	stream.indirect.gather [hbm4b:s2+s16], $0x80, s25, s16, $0xb8;
	[tilespmem:$0x1E400] =	vst v63  }
0x6e: {  	s25 =	smov.u32 s24  }
0x6f: {  	p0 =	sne.s32 s24, $0x4800;
	s24 =	sadd.s32 $0x400, s24;
	_ =	swait.ge [sflag:s20], $0x3E80  }
0x70: {  	s25 =	sshra.s32 s25, $0x2;
	[sflag:s20] =	ssyncset.done $0x0  }
0x71: {  	s26 =	sadd.s32 $0x1400, s25;
	[sflag:s20] =	ssyncadd.s32 $0xFFFFC180  }
0x72: {  	[spmem:s3] =	stream.indirect.scatter.add.f32 [tilespmem:s17], [sflag:$0x2], $0x80, s26, s16, $0xb8;
	[tilespmem:$0x1E400] =	vst v63  }
0x73: {  	_ =	swait.ge [sflag:s14], $0x3E80  }
0x74: {  	[sflag:s14] =	ssyncset.done $0x0  }
0x75: {  	s26 =	sadd.s32 $0x100, s25;
	[sflag:s14] =	ssyncadd.s32 $0xFFFFC180  }
0x76: {  	[tilespmem:s17], [sflag:$0x1] =	stream.indirect.gather [hbm4b:s2+s16], $0x80, s26, s16, $0xb8;
	[tilespmem:$0x1E400] =	vst v63  }
0x77: {  	_ =	swait.ge [sflag:s20], $0x3E80  }
0x78: {  	[sflag:s20] =	ssyncset.done $0x0  }
.Ltmp1:
0x79: {  	s26 =	sadd.s32 $0x1480, s25;
	[sflag:s20] =	ssyncadd.s32 $0xFFFFC180;
	(pc) =	sbr.rel @p0 .LBB2_4-.Ltmp1, $4  }
0x7a: {  	[spmem:s3] =	stream.indirect.scatter.add.f32 [tilespmem:s19], [sflag:$0x2], $0x80, s26, s16, $0xb8;
	[tilespmem:$0x1E400] =	vst v63  }
0x7b: {  	_ =	swait.ge [sflag:s14], $0x3E80  }
0x7c: {  	[sflag:s14] =	ssyncset.done $0x0  }
0x7d: {  	s25 =	sadd.s32 $0x180, s25;
	[sflag:s14] =	ssyncadd.s32 $0xFFFFC180  }
0x7e: {  	[tilespmem:s19], [sflag:$0x1] =	stream.indirect.gather [hbm4b:s2+s16], $0x80, s25, s16, $0xb8;
	[tilespmem:$0x1E400] =	vst v63  }
0x7f: {  	_ =	swait.ge [sflag:s20], $0x3E80  }
0x80: {  	[sflag:s20] =	ssyncset.done $0x0  }
0x81: {  	[sflag:s20] =	ssyncadd.s32 $0xFFFFC180  }
0x82: {  	[spmem:s3] =	stream.indirect.scatter.add.f32 [tilespmem:s17], [sflag:$0x2], $0x80, s21, s16, $0xb8;
	[tilespmem:$0x1E400] =	vst v63  }
0x83: {  	_ =	swait.ge [sflag:s14], $0x3E80  }
0x84: {  	[sflag:s14] =	ssyncset.done $0x0  }
0x85: {  	[sflag:s14] =	ssyncadd.s32 $0xFFFFC180  }
0x86: {  	_ =	swait.ge [sflag:s20], $0x3E80  }
0x87: {  	[sflag:s20] =	ssyncset.done $0x0  }
0x88: {  	[sflag:s20] =	ssyncadd.s32 $0xFFFFC180  }
0x89: {  	[spmem:s3] =	stream.indirect.scatter.add.f32 [tilespmem:s19], [sflag:$0x2], $0x80, s22, s16, $0xb8;
	[tilespmem:$0x1E400] =	vst v63  }
0x8a: {  	_ =	swait.ge [sflag:s14], $0x3E80  }
0x8b: {  	s23 =	sadd.s32 $0x1, s23;
	[sflag:s14] =	ssyncset.done $0x0  }
0x8c: {  	p0 =	sne.s32 s23, s12;
	[sflag:s14] =	ssyncadd.s32 $0xFFFFC180  }
.Ltmp2:
0x8d: {  	[bflag:$0x0] =	sbarrier.arrive $0xFFFF;
	(pc) =	sbr.rel @p0 .LBB2_1-.Ltmp2, $4  }
0x8e: {  	[hbm:s11], [sflag:s6] =	dma.local [spmem:s13], $0x2780  }
0x8f: {  	_ =	swait.ge [sflag:s14], $0x2780  }
0x90: {  	[sflag:s14] =	ssyncset.done $0x0  }
0x91: {  	[sflag:s14] =	ssyncadd.s32 $0xFFFFD880  }
0x92: {  	_ =	sfence.sel $0x180000  }
0x93: {  	[bflag:$0x0] =	sbarrier.arrive $0xFFFF  }
0x94: {  	p0 =	sne.s32 s1, $0x0;
	_ =	strace $0x90000047  }
0x95: {  	s0 =	sadd.s32 @!p0 $0x100000, s0;
	[bflag:$0x2] =	sbarrier.arrive $0xFFFF  }
0x96: {  	[sflag:s0] =	ssyncadd.tile.s32 @!p0 $0x1;
	_ =	shalt  }
.Lfunc_end2:
_tile_overlayer_lowered:
.L_overlay_start_2:
0x97: {  	(tag) =	ssettag $0x2  }
0x98: {  	s0 =	rddreg [dreg:$0x0];
	s2 =	stileid.u32  }
0x99: {  	s1 =	rddreg [dreg:$0x1];
	p0 =	sne.s32 s2, $0x0  }
0x9a: {  	s3 =	rddreg [dreg:$0x2];
	[bflag:$0x3] =	sbarrier.arrive $0xFFFF;
	s2 =	simm.s32 @!p0 $0x1C02  }
0x9b: {  	[timem:s3], [sflag:s2] =	dma.local @!p0 [hbm:s0], s1  }
0x9c: {  	s0 =	simm.s32 @!p0 $0x2  }
0x9d: {  	_ =	swait.ge @!p0 [sflag:s0], s1  }
0x9e: {  	s1 =	ssub.s32 @!p0 $0x0, s1;
	[sflag:s0] =	ssyncset.done @!p0 $0x0  }
0x9f: {  	[sflag:s0] =	ssyncadd.s32 @!p0 s1  }
0xa0: {  	[bflag:$0x3] =	sbarrier.arrive $0xFFFF  }
0xa1: {  	_ =	shalt  }

</sc_bundles>
